<compile_context>
chip_gen: v7x
topology: tpu7x:2x2x1
jax: 0.10.2.dev20260603
libtpu: 0.0.44.dev20260713+nightly
codegen_flags: <defaults>
</compile_context>

<pallas_src>
import functools

import jax
import jax.numpy as jnp
from jax import lax
from jax.experimental import pallas as pl
from jax.experimental.pallas import tpu as pltpu
from jax.experimental.pallas import tpu_sc as plsc

_NUM_CLASSES = 1000
_NW = 32

_B, _C = 16384, 26
_N = _B * _C
_W = _N * _NUM_CLASSES
_CH = _C // 2
_BPW = _B // 16
_RPW = _BPW * _CH
_WPW = _W // _NW

_ZCHUNK = 104_000
_NZ = _WPW // _ZCHUNK
_ZDEPTH = 8

_PCOLS = 128
_PROWS = _RPW // _PCOLS
_SDEPTH = 8


def _onehot_kernel(in_hbm, out_hbm, zbuf, idxbuf, posbuf, ones, zsem, isem,
                   ssem):
  cid = lax.axis_index("c")
  sid = lax.axis_index("s")
  zbase = (cid * 16 + sid) * _WPW
  b0 = sid * _BPW
  c0 = cid * _CH

  zero16 = jnp.zeros((16,), jnp.int32)
  one16 = jnp.ones((16,), jnp.int32)

  def _zb(i, c):
    zbuf[pl.ds(i * 16, 16)] = zero16
    return c

  lax.fori_loop(0, _ZCHUNK // 16, _zb, 0)
  for v in range(_PCOLS // 16):
    ones[pl.ds(v * 16, 16)] = one16

  for lc in range(_CH):
    pltpu.make_async_copy(
        in_hbm.at[pl.ds((c0 + lc) * _B + b0, _BPW)],
        idxbuf.at[pl.ds(lc * _BPW, _BPW)], isem).start()

  def _zstart(i):
    pltpu.make_async_copy(
        zbuf, out_hbm.at[pl.ds(zbase + i * _ZCHUNK, _ZCHUNK)], zsem).start()

  def _zwait():
    pltpu.make_async_copy(
        zbuf, out_hbm.at[pl.ds(zbase, _ZCHUNK)], zsem).wait()

  for i in range(_ZDEPTH):
    _zstart(i)

  def _za(i, c):
    @pl.when(i + _ZDEPTH < _NZ)
    def _():
      _zstart(i + _ZDEPTH)

    _zwait()
    return c

  lax.fori_loop(0, _NZ - _ZDEPTH, _za, 0)

  for lc in range(_CH):
    pltpu.make_async_copy(
        in_hbm.at[pl.ds((c0 + lc) * _B + b0, _BPW)],
        idxbuf.at[pl.ds(lc * _BPW, _BPW)], isem).wait()
  iota16 = lax.iota(jnp.int32, 16)

  def _pb(q, carry):
    lc = q >> 6
    lb = (q & 63) * 16
    vec = idxbuf[pl.ds(q * 16, 16)]
    cc = c0 + lc
    bb = b0 + lb + iota16
    pos = (cc * (_B * _NUM_CLASSES) + ((vec >> 3) << 17) + ((bb >> 7) << 10)
           + ((vec & 7) << 7) + (bb & 127))
    posbuf[q >> 3, pl.ds((q & 7) * 16, 16)] = pos
    return carry

  lax.fori_loop(0, _RPW // 16, _pb, 0)

  def _zd(i, c):
    _zwait()
    return c

  lax.fori_loop(0, _ZDEPTH, _zd, 0)
  plsc.subcore_barrier()

  def _sstart(j):
    pltpu.make_async_copy(ones, out_hbm.at[posbuf.at[j]], ssem).start()

  def _swait(j):
    pltpu.make_async_copy(ones, out_hbm.at[posbuf.at[j]], ssem).wait()

  for j in range(_SDEPTH):
    _sstart(j)

  def _sa(j, c):
    @pl.when(j + _SDEPTH < _PROWS)
    def _():
      _sstart(j + _SDEPTH)

    _swait(j)
    return c

  lax.fori_loop(0, _PROWS, _sa, 0)


@jax.jit
def _onehot(flat_idx_t):
  mesh = plsc.VectorSubcoreMesh(core_axis_name="c", subcore_axis_name="s")
  run = functools.partial(
      pl.kernel,
      mesh=mesh,
      out_type=jax.ShapeDtypeStruct((_W,), jnp.int32),
      scratch_types=[
          pltpu.VMEM((_ZCHUNK,), jnp.int32),
          pltpu.VMEM((_RPW,), jnp.int32),
          pltpu.VMEM((_PROWS, _PCOLS), jnp.int32),
          pltpu.VMEM((_PCOLS,), jnp.int32),
          pltpu.SemaphoreType.DMA,
          pltpu.SemaphoreType.DMA,
          pltpu.SemaphoreType.DMA,
      ],
  )(_onehot_kernel)
  return run(flat_idx_t)


def kernel(input):
  flat_t = input.T.reshape(_N).astype(jnp.int32)
  out = _onehot(flat_t)
  out = out.reshape(_C, _NUM_CLASSES // 8, _B // 128, 8, 128)
  out = out.transpose(2, 4, 0, 1, 3)
  return out.reshape(_B, _C, _NUM_CLASSES)

# --- scband reference (transcript-rebuilt; emitter-appended) ---
"""Pipeline reference for scband-one-hot-encoder-56100862820741 (READ-ONLY COPY).

The authoritative reference and input builder live on the scoring server;
editing this copy changes nothing except your own understanding.
"""

import jax, jax.numpy as jnp
import numpy as np

NUM_CLASSES = 1000

def setup_inputs(seed: int = 0) -> dict:
    key = jax.random.key(seed)
    input = jax.random.randint(key, (16384, 26), 0, NUM_CLASSES, dtype=jnp.int64 if jax.config.jax_enable_x64 else jnp.int32)
    return {"input": input}

def reference(input) -> jnp.ndarray:
    # Faithful translation of torch.nn.functional.one_hot(input, num_classes):
    # produces an integer tensor of shape input.shape + (num_classes,)
    # with a 1 at the index position and 0 elsewhere.
    out = jax.nn.one_hot(input, NUM_CLASSES, dtype=jnp.int32)
    return out

if __name__ == "__main__":
    import jax
    _d = setup_inputs()
    print(jax.jit(kernel)(*tuple(_d.values())))

</pallas_src>

<mosaic_0001>
#map = affine_map<(d0, d1) -> (0)>
module attributes {stable_mosaic.version = 14 : i64} {
  func.func @_onehot_kernel(%arg0: i32, %arg1: i32, %arg2: memref<425984xi32, #tpu.memory_space<hbm>>, %arg3: memref<425984000xi32, #tpu.memory_space<hbm>>, %arg4: memref<104000xi32, #tpu.memory_space<vmem>>, %arg5: memref<13312xi32, #tpu.memory_space<vmem>>, %arg6: memref<104x128xi32, #tpu.memory_space<vmem>>, %arg7: memref<128xi32, #tpu.memory_space<vmem>>, %arg8: memref<!tpu.dma_semaphore, #tpu.memory_space<semaphore_mem>>, %arg9: memref<!tpu.dma_semaphore, #tpu.memory_space<semaphore_mem>>, %arg10: memref<!tpu.dma_semaphore, #tpu.memory_space<semaphore_mem>>) attributes {dimension_semantics = [#tpu.dimension_semantics<core_parallel>, #tpu.dimension_semantics<subcore_parallel>], iteration_bounds = array<i64: 2, 16>, scalar_prefetch = 0 : i64, scratch_operands = 7 : i64, tpu.core_type = #tpu.core_type<sc_vector_subcore>, window_params = [{transform_indices = #map}, {transform_indices = #map}]} {
    %mul3A = arith.constant 16 : i32
    %mul3A_0 = arith.muli %arg0, %mul3A : i32
    %add3A = arith.addi %mul3A_0, %arg1 : i32
    %mul3A_1 = arith.constant 13312000 : i32
    %mul3A_2 = arith.muli %add3A, %mul3A_1 : i32
    %mul3A_3 = arith.constant 1024 : i32
    %mul3A_4 = arith.muli %arg1, %mul3A_3 : i32
    %mul3A_5 = arith.constant 13 : i32
    %mul3A_6 = arith.muli %arg0, %mul3A_5 : i32
    %broadcast_in_dim3A = arith.constant 0 : i32
    %broadcast_in_dim3A_7 = vector.broadcast %broadcast_in_dim3A : i32 to vector<16xi32>
    %broadcast_in_dim3A_8 = arith.constant 1 : i32
    %broadcast_in_dim3A_9 = vector.broadcast %broadcast_in_dim3A_8 : i32 to vector<16xi32>
    %scan3A = arith.constant 0 : i32
    %scan3A_10 = arith.constant 0 : i32
    %scan3A_11 = arith.constant 6500 : i32
    %scan3A_12 = arith.addi %scan3A_10, %scan3A_11 : i32
    %scan3A_13 = arith.constant 1 : i32
    scf.for %scan3A_434 = %scan3A_10 to %scan3A_12 step %scan3A_13  : i32 {
      %mul3A_435 = arith.constant 16 : i32
      %mul3A_436 = arith.muli %scan3A_434, %mul3A_435 : i32
      %swap3A_437 = arith.index_cast %mul3A_436 : i32 to index
      %swap3A_438 = tpu.vector_load %arg4[%swap3A_437] {strides = array<i32>} : memref<104000xi32, #tpu.memory_space<vmem>>, vector<16xi32>,
      %swap3A_439 = vector.shape_cast %swap3A_438 : vector<16xi32> to vector<16xi32>
      %swap3A_440 = vector.shape_cast %broadcast_in_dim3A_7 : vector<16xi32> to vector<16xi32>
      tpu.vector_store %arg4[%swap3A_437], %swap3A_440 {strides = array<i32>} : memref<104000xi32, #tpu.memory_space<vmem>>, vector<16xi32>,
    }
    %scan3A_14 = arith.constant 6500 : i32
    %swap3A = arith.constant 0 : index
    %swap3A_15 = tpu.vector_load %arg7[%swap3A] {strides = array<i32>} : memref<128xi32, #tpu.memory_space<vmem>>, vector<16xi32>,
    %swap3A_16 = vector.shape_cast %swap3A_15 : vector<16xi32> to vector<16xi32>
    %swap3A_17 = vector.shape_cast %broadcast_in_dim3A_9 : vector<16xi32> to vector<16xi32>
    tpu.vector_store %arg7[%swap3A], %swap3A_17 {strides = array<i32>} : memref<128xi32, #tpu.memory_space<vmem>>, vector<16xi32>,
    %swap3A_18 = arith.constant 16 : index
    %swap3A_19 = tpu.vector_load %arg7[%swap3A_18] {strides = array<i32>} : memref<128xi32, #tpu.memory_space<vmem>>, vector<16xi32>,
    %swap3A_20 = vector.shape_cast %swap3A_19 : vector<16xi32> to vector<16xi32>
    %swap3A_21 = vector.shape_cast %broadcast_in_dim3A_9 : vector<16xi32> to vector<16xi32>
    tpu.vector_store %arg7[%swap3A_18], %swap3A_21 {strides = array<i32>} : memref<128xi32, #tpu.memory_space<vmem>>, vector<16xi32>,
    %swap3A_22 = arith.constant 32 : index
    %swap3A_23 = tpu.vector_load %arg7[%swap3A_22] {strides = array<i32>} : memref<128xi32, #tpu.memory_space<vmem>>, vector<16xi32>,
    %swap3A_24 = vector.shape_cast %swap3A_23 : vector<16xi32> to vector<16xi32>
    %swap3A_25 = vector.shape_cast %broadcast_in_dim3A_9 : vector<16xi32> to vector<16xi32>
    tpu.vector_store %arg7[%swap3A_22], %swap3A_25 {strides = array<i32>} : memref<128xi32, #tpu.memory_space<vmem>>, vector<16xi32>,
    %swap3A_26 = arith.constant 48 : index
    %swap3A_27 = tpu.vector_load %arg7[%swap3A_26] {strides = array<i32>} : memref<128xi32, #tpu.memory_space<vmem>>, vector<16xi32>,
    %swap3A_28 = vector.shape_cast %swap3A_27 : vector<16xi32> to vector<16xi32>
    %swap3A_29 = vector.shape_cast %broadcast_in_dim3A_9 : vector<16xi32> to vector<16xi32>
    tpu.vector_store %arg7[%swap3A_26], %swap3A_29 {strides = array<i32>} : memref<128xi32, #tpu.memory_space<vmem>>, vector<16xi32>,
    %swap3A_30 = arith.constant 64 : index
    %swap3A_31 = tpu.vector_load %arg7[%swap3A_30] {strides = array<i32>} : memref<128xi32, #tpu.memory_space<vmem>>, vector<16xi32>,
    %swap3A_32 = vector.shape_cast %swap3A_31 : vector<16xi32> to vector<16xi32>
    %swap3A_33 = vector.shape_cast %broadcast_in_dim3A_9 : vector<16xi32> to vector<16xi32>
    tpu.vector_store %arg7[%swap3A_30], %swap3A_33 {strides = array<i32>} : memref<128xi32, #tpu.memory_space<vmem>>, vector<16xi32>,
    %swap3A_34 = arith.constant 80 : index
    %swap3A_35 = tpu.vector_load %arg7[%swap3A_34] {strides = array<i32>} : memref<128xi32, #tpu.memory_space<vmem>>, vector<16xi32>,
    %swap3A_36 = vector.shape_cast %swap3A_35 : vector<16xi32> to vector<16xi32>
    %swap3A_37 = vector.shape_cast %broadcast_in_dim3A_9 : vector<16xi32> to vector<16xi32>
    tpu.vector_store %arg7[%swap3A_34], %swap3A_37 {strides = array<i32>} : memref<128xi32, #tpu.memory_space<vmem>>, vector<16xi32>,
    %swap3A_38 = arith.constant 96 : index
    %swap3A_39 = tpu.vector_load %arg7[%swap3A_38] {strides = array<i32>} : memref<128xi32, #tpu.memory_space<vmem>>, vector<16xi32>,
    %swap3A_40 = vector.shape_cast %swap3A_39 : vector<16xi32> to vector<16xi32>
    %swap3A_41 = vector.shape_cast %broadcast_in_dim3A_9 : vector<16xi32> to vector<16xi32>
    tpu.vector_store %arg7[%swap3A_38], %swap3A_41 {strides = array<i32>} : memref<128xi32, #tpu.memory_space<vmem>>, vector<16xi32>,
    %swap3A_42 = arith.constant 112 : index
    %swap3A_43 = tpu.vector_load %arg7[%swap3A_42] {strides = array<i32>} : memref<128xi32, #tpu.memory_space<vmem>>, vector<16xi32>,
    %swap3A_44 = vector.shape_cast %swap3A_43 : vector<16xi32> to vector<16xi32>
    %swap3A_45 = vector.shape_cast %broadcast_in_dim3A_9 : vector<16xi32> to vector<16xi32>
    tpu.vector_store %arg7[%swap3A_42], %swap3A_45 {strides = array<i32>} : memref<128xi32, #tpu.memory_space<vmem>>, vector<16xi32>,
    %add3A_46 = arith.constant 0 : i32
    %add3A_47 = arith.addi %mul3A_6, %add3A_46 : i32
    %mul3A_48 = arith.constant 16384 : i32
    %mul3A_49 = arith.muli %add3A_47, %mul3A_48 : i32
    %add3A_50 = arith.addi %mul3A_49, %mul3A_4 : i32
    %dma_start3A = arith.constant 0 : i32
    %dma_start3A_51 = tpu.memref_slice %arg5[%dma_start3A] : memref<13312xi32, #tpu.memory_space<vmem>> -> memref<1024xi32, #tpu.memory_space<vmem>>
    %dma_start3A_52 = tpu.memref_slice %arg2[%add3A_50] : memref<425984xi32, #tpu.memory_space<hbm>> -> memref<1024xi32, #tpu.memory_space<hbm>>
    %dma_start3A_53 = arith.constant 0 : i32
    %dma_start3A_54 = tpu.memref_slice %arg5[%dma_start3A_53] : memref<13312xi32, #tpu.memory_space<vmem>> -> memref<1024xi32, #tpu.memory_space<vmem>>
    %dma_start3A_55 = tpu.memref_slice %arg2[%add3A_50] : memref<425984xi32, #tpu.memory_space<hbm>> -> memref<1024xi32, #tpu.memory_space<hbm>>
    tpu.enqueue_dma source(%dma_start3A_55 : memref<1024xi32, #tpu.memory_space<hbm>>) target(%dma_start3A_54 : memref<1024xi32, #tpu.memory_space<vmem>>) target_semaphore(%arg9 : memref<!tpu.dma_semaphore, #tpu.memory_space<semaphore_mem>>)
    %add3A_56 = arith.constant 1 : i32
    %add3A_57 = arith.addi %mul3A_6, %add3A_56 : i32
    %mul3A_58 = arith.constant 16384 : i32
    %mul3A_59 = arith.muli %add3A_57, %mul3A_58 : i32
    %add3A_60 = arith.addi %mul3A_59, %mul3A_4 : i32
    %dma_start3A_61 = arith.constant 1024 : i32
    %dma_start3A_62 = tpu.memref_slice %arg5[%dma_start3A_61] : memref<13312xi32, #tpu.memory_space<vmem>> -> memref<1024xi32, #tpu.memory_space<vmem>>
    %dma_start3A_63 = tpu.memref_slice %arg2[%add3A_60] : memref<425984xi32, #tpu.memory_space<hbm>> -> memref<1024xi32, #tpu.memory_space<hbm>>
    %dma_start3A_64 = arith.constant 1024 : i32
    %dma_start3A_65 = tpu.memref_slice %arg5[%dma_start3A_64] : memref<13312xi32, #tpu.memory_space<vmem>> -> memref<1024xi32, #tpu.memory_space<vmem>>
    %dma_start3A_66 = tpu.memref_slice %arg2[%add3A_60] : memref<425984xi32, #tpu.memory_space<hbm>> -> memref<1024xi32, #tpu.memory_space<hbm>>
    tpu.enqueue_dma source(%dma_start3A_66 : memref<1024xi32, #tpu.memory_space<hbm>>) target(%dma_start3A_65 : memref<1024xi32, #tpu.memory_space<vmem>>) target_semaphore(%arg9 : memref<!tpu.dma_semaphore, #tpu.memory_space<semaphore_mem>>)
    %add3A_67 = arith.constant 2 : i32
    %add3A_68 = arith.addi %mul3A_6, %add3A_67 : i32
    %mul3A_69 = arith.constant 16384 : i32
    %mul3A_70 = arith.muli %add3A_68, %mul3A_69 : i32
    %add3A_71 = arith.addi %mul3A_70, %mul3A_4 : i32
    %dma_start3A_72 = arith.constant 2048 : i32
    %dma_start3A_73 = tpu.memref_slice %arg5[%dma_start3A_72] : memref<13312xi32, #tpu.memory_space<vmem>> -> memref<1024xi32, #tpu.memory_space<vmem>>
    %dma_start3A_74 = tpu.memref_slice %arg2[%add3A_71] : memref<425984xi32, #tpu.memory_space<hbm>> -> memref<1024xi32, #tpu.memory_space<hbm>>
    %dma_start3A_75 = arith.constant 2048 : i32
    %dma_start3A_76 = tpu.memref_slice %arg5[%dma_start3A_75] : memref<13312xi32, #tpu.memory_space<vmem>> -> memref<1024xi32, #tpu.memory_space<vmem>>
    %dma_start3A_77 = tpu.memref_slice %arg2[%add3A_71] : memref<425984xi32, #tpu.memory_space<hbm>> -> memref<1024xi32, #tpu.memory_space<hbm>>
    tpu.enqueue_dma source(%dma_start3A_77 : memref<1024xi32, #tpu.memory_space<hbm>>) target(%dma_start3A_76 : memref<1024xi32, #tpu.memory_space<vmem>>) target_semaphore(%arg9 : memref<!tpu.dma_semaphore, #tpu.memory_space<semaphore_mem>>)
    %add3A_78 = arith.constant 3 : i32
    %add3A_79 = arith.addi %mul3A_6, %add3A_78 : i32
    %mul3A_80 = arith.constant 16384 : i32
    %mul3A_81 = arith.muli %add3A_79, %mul3A_80 : i32
    %add3A_82 = arith.addi %mul3A_81, %mul3A_4 : i32
    %dma_start3A_83 = arith.constant 3072 : i32
    %dma_start3A_84 = tpu.memref_slice %arg5[%dma_start3A_83] : memref<13312xi32, #tpu.memory_space<vmem>> -> memref<1024xi32, #tpu.memory_space<vmem>>
    %dma_start3A_85 = tpu.memref_slice %arg2[%add3A_82] : memref<425984xi32, #tpu.memory_space<hbm>> -> memref<1024xi32, #tpu.memory_space<hbm>>
    %dma_start3A_86 = arith.constant 3072 : i32
    %dma_start3A_87 = tpu.memref_slice %arg5[%dma_start3A_86] : memref<13312xi32, #tpu.memory_space<vmem>> -> memref<1024xi32, #tpu.memory_space<vmem>>
    %dma_start3A_88 = tpu.memref_slice %arg2[%add3A_82] : memref<425984xi32, #tpu.memory_space<hbm>> -> memref<1024xi32, #tpu.memory_space<hbm>>
    tpu.enqueue_dma source(%dma_start3A_88 : memref<1024xi32, #tpu.memory_space<hbm>>) target(%dma_start3A_87 : memref<1024xi32, #tpu.memory_space<vmem>>) target_semaphore(%arg9 : memref<!tpu.dma_semaphore, #tpu.memory_space<semaphore_mem>>)
    %add3A_89 = arith.constant 4 : i32
    %add3A_90 = arith.addi %mul3A_6, %add3A_89 : i32
    %mul3A_91 = arith.constant 16384 : i32
    %mul3A_92 = arith.muli %add3A_90, %mul3A_91 : i32
    %add3A_93 = arith.addi %mul3A_92, %mul3A_4 : i32
    %dma_start3A_94 = arith.constant 4096 : i32
    %dma_start3A_95 = tpu.memref_slice %arg5[%dma_start3A_94] : memref<13312xi32, #tpu.memory_space<vmem>> -> memref<1024xi32, #tpu.memory_space<vmem>>
    %dma_start3A_96 = tpu.memref_slice %arg2[%add3A_93] : memref<425984xi32, #tpu.memory_space<hbm>> -> memref<1024xi32, #tpu.memory_space<hbm>>
    %dma_start3A_97 = arith.constant 4096 : i32
    %dma_start3A_98 = tpu.memref_slice %arg5[%dma_start3A_97] : memref<13312xi32, #tpu.memory_space<vmem>> -> memref<1024xi32, #tpu.memory_space<vmem>>
    %dma_start3A_99 = tpu.memref_slice %arg2[%add3A_93] : memref<425984xi32, #tpu.memory_space<hbm>> -> memref<1024xi32, #tpu.memory_space<hbm>>
    tpu.enqueue_dma source(%dma_start3A_99 : memref<1024xi32, #tpu.memory_space<hbm>>) target(%dma_start3A_98 : memref<1024xi32, #tpu.memory_space<vmem>>) target_semaphore(%arg9 : memref<!tpu.dma_semaphore, #tpu.memory_space<semaphore_mem>>)
    %add3A_100 = arith.constant 5 : i32
    %add3A_101 = arith.addi %mul3A_6, %add3A_100 : i32
    %mul3A_102 = arith.constant 16384 : i32
    %mul3A_103 = arith.muli %add3A_101, %mul3A_102 : i32
    %add3A_104 = arith.addi %mul3A_103, %mul3A_4 : i32
    %dma_start3A_105 = arith.constant 5120 : i32
    %dma_start3A_106 = tpu.memref_slice %arg5[%dma_start3A_105] : memref<13312xi32, #tpu.memory_space<vmem>> -> memref<1024xi32, #tpu.memory_space<vmem>>
    %dma_start3A_107 = tpu.memref_slice %arg2[%add3A_104] : memref<425984xi32, #tpu.memory_space<hbm>> -> memref<1024xi32, #tpu.memory_space<hbm>>
    %dma_start3A_108 = arith.constant 5120 : i32
    %dma_start3A_109 = tpu.memref_slice %arg5[%dma_start3A_108] : memref<13312xi32, #tpu.memory_space<vmem>> -> memref<1024xi32, #tpu.memory_space<vmem>>
    %dma_start3A_110 = tpu.memref_slice %arg2[%add3A_104] : memref<425984xi32, #tpu.memory_space<hbm>> -> memref<1024xi32, #tpu.memory_space<hbm>>
    tpu.enqueue_dma source(%dma_start3A_110 : memref<1024xi32, #tpu.memory_space<hbm>>) target(%dma_start3A_109 : memref<1024xi32, #tpu.memory_space<vmem>>) target_semaphore(%arg9 : memref<!tpu.dma_semaphore, #tpu.memory_space<semaphore_mem>>)
    %add3A_111 = arith.constant 6 : i32
    %add3A_112 = arith.addi %mul3A_6, %add3A_111 : i32
    %mul3A_113 = arith.constant 16384 : i32
    %mul3A_114 = arith.muli %add3A_112, %mul3A_113 : i32
    %add3A_115 = arith.addi %mul3A_114, %mul3A_4 : i32
    %dma_start3A_116 = arith.constant 6144 : i32
    %dma_start3A_117 = tpu.memref_slice %arg5[%dma_start3A_116] : memref<13312xi32, #tpu.memory_space<vmem>> -> memref<1024xi32, #tpu.memory_space<vmem>>
    %dma_start3A_118 = tpu.memref_slice %arg2[%add3A_115] : memref<425984xi32, #tpu.memory_space<hbm>> -> memref<1024xi32, #tpu.memory_space<hbm>>
    %dma_start3A_119 = arith.constant 6144 : i32
    %dma_start3A_120 = tpu.memref_slice %arg5[%dma_start3A_119] : memref<13312xi32, #tpu.memory_space<vmem>> -> memref<1024xi32, #tpu.memory_space<vmem>>
    %dma_start3A_121 = tpu.memref_slice %arg2[%add3A_115] : memref<425984xi32, #tpu.memory_space<hbm>> -> memref<1024xi32, #tpu.memory_space<hbm>>
    tpu.enqueue_dma source(%dma_start3A_121 : memref<1024xi32, #tpu.memory_space<hbm>>) target(%dma_start3A_120 : memref<1024xi32, #tpu.memory_space<vmem>>) target_semaphore(%arg9 : memref<!tpu.dma_semaphore, #tpu.memory_space<semaphore_mem>>)
    %add3A_122 = arith.constant 7 : i32
    %add3A_123 = arith.addi %mul3A_6, %add3A_122 : i32
    %mul3A_124 = arith.constant 16384 : i32
    %mul3A_125 = arith.muli %add3A_123, %mul3A_124 : i32
    %add3A_126 = arith.addi %mul3A_125, %mul3A_4 : i32
    %dma_start3A_127 = arith.constant 7168 : i32
    %dma_start3A_128 = tpu.memref_slice %arg5[%dma_start3A_127] : memref<13312xi32, #tpu.memory_space<vmem>> -> memref<1024xi32, #tpu.memory_space<vmem>>
    %dma_start3A_129 = tpu.memref_slice %arg2[%add3A_126] : memref<425984xi32, #tpu.memory_space<hbm>> -> memref<1024xi32, #tpu.memory_space<hbm>>
    %dma_start3A_130 = arith.constant 7168 : i32
    %dma_start3A_131 = tpu.memref_slice %arg5[%dma_start3A_130] : memref<13312xi32, #tpu.memory_space<vmem>> -> memref<1024xi32, #tpu.memory_space<vmem>>
    %dma_start3A_132 = tpu.memref_slice %arg2[%add3A_126] : memref<425984xi32, #tpu.memory_space<hbm>> -> memref<1024xi32, #tpu.memory_space<hbm>>
    tpu.enqueue_dma source(%dma_start3A_132 : memref<1024xi32, #tpu.memory_space<hbm>>) target(%dma_start3A_131 : memref<1024xi32, #tpu.memory_space<vmem>>) target_semaphore(%arg9 : memref<!tpu.dma_semaphore, #tpu.memory_space<semaphore_mem>>)
    %add3A_133 = arith.constant 8 : i32
    %add3A_134 = arith.addi %mul3A_6, %add3A_133 : i32
    %mul3A_135 = arith.constant 16384 : i32
    %mul3A_136 = arith.muli %add3A_134, %mul3A_135 : i32
    %add3A_137 = arith.addi %mul3A_136, %mul3A_4 : i32
    %dma_start3A_138 = arith.constant 8192 : i32
    %dma_start3A_139 = tpu.memref_slice %arg5[%dma_start3A_138] : memref<13312xi32, #tpu.memory_space<vmem>> -> memref<1024xi32, #tpu.memory_space<vmem>>
    %dma_start3A_140 = tpu.memref_slice %arg2[%add3A_137] : memref<425984xi32, #tpu.memory_space<hbm>> -> memref<1024xi32, #tpu.memory_space<hbm>>
    %dma_start3A_141 = arith.constant 8192 : i32
    %dma_start3A_142 = tpu.memref_slice %arg5[%dma_start3A_141] : memref<13312xi32, #tpu.memory_space<vmem>> -> memref<1024xi32, #tpu.memory_space<vmem>>
    %dma_start3A_143 = tpu.memref_slice %arg2[%add3A_137] : memref<425984xi32, #tpu.memory_space<hbm>> -> memref<1024xi32, #tpu.memory_space<hbm>>
    tpu.enqueue_dma source(%dma_start3A_143 : memref<1024xi32, #tpu.memory_space<hbm>>) target(%dma_start3A_142 : memref<1024xi32, #tpu.memory_space<vmem>>) target_semaphore(%arg9 : memref<!tpu.dma_semaphore, #tpu.memory_space<semaphore_mem>>)
    %add3A_144 = arith.constant 9 : i32
    %add3A_145 = arith.addi %mul3A_6, %add3A_144 : i32
    %mul3A_146 = arith.constant 16384 : i32
    %mul3A_147 = arith.muli %add3A_145, %mul3A_146 : i32
    %add3A_148 = arith.addi %mul3A_147, %mul3A_4 : i32
    %dma_start3A_149 = arith.constant 9216 : i32
    %dma_start3A_150 = tpu.memref_slice %arg5[%dma_start3A_149] : memref<13312xi32, #tpu.memory_space<vmem>> -> memref<1024xi32, #tpu.memory_space<vmem>>
    %dma_start3A_151 = tpu.memref_slice %arg2[%add3A_148] : memref<425984xi32, #tpu.memory_space<hbm>> -> memref<1024xi32, #tpu.memory_space<hbm>>
    %dma_start3A_152 = arith.constant 9216 : i32
    %dma_start3A_153 = tpu.memref_slice %arg5[%dma_start3A_152] : memref<13312xi32, #tpu.memory_space<vmem>> -> memref<1024xi32, #tpu.memory_space<vmem>>
    %dma_start3A_154 = tpu.memref_slice %arg2[%add3A_148] : memref<425984xi32, #tpu.memory_space<hbm>> -> memref<1024xi32, #tpu.memory_space<hbm>>
    tpu.enqueue_dma source(%dma_start3A_154 : memref<1024xi32, #tpu.memory_space<hbm>>) target(%dma_start3A_153 : memref<1024xi32, #tpu.memory_space<vmem>>) target_semaphore(%arg9 : memref<!tpu.dma_semaphore, #tpu.memory_space<semaphore_mem>>)
    %add3A_155 = arith.constant 10 : i32
    %add3A_156 = arith.addi %mul3A_6, %add3A_155 : i32
    %mul3A_157 = arith.constant 16384 : i32
    %mul3A_158 = arith.muli %add3A_156, %mul3A_157 : i32
    %add3A_159 = arith.addi %mul3A_158, %mul3A_4 : i32
    %dma_start3A_160 = arith.constant 10240 : i32
    %dma_start3A_161 = tpu.memref_slice %arg5[%dma_start3A_160] : memref<13312xi32, #tpu.memory_space<vmem>> -> memref<1024xi32, #tpu.memory_space<vmem>>
    %dma_start3A_162 = tpu.memref_slice %arg2[%add3A_159] : memref<425984xi32, #tpu.memory_space<hbm>> -> memref<1024xi32, #tpu.memory_space<hbm>>
    %dma_start3A_163 = arith.constant 10240 : i32
    %dma_start3A_164 = tpu.memref_slice %arg5[%dma_start3A_163] : memref<13312xi32, #tpu.memory_space<vmem>> -> memref<1024xi32, #tpu.memory_space<vmem>>
    %dma_start3A_165 = tpu.memref_slice %arg2[%add3A_159] : memref<425984xi32, #tpu.memory_space<hbm>> -> memref<1024xi32, #tpu.memory_space<hbm>>
    tpu.enqueue_dma source(%dma_start3A_165 : memref<1024xi32, #tpu.memory_space<hbm>>) target(%dma_start3A_164 : memref<1024xi32, #tpu.memory_space<vmem>>) target_semaphore(%arg9 : memref<!tpu.dma_semaphore, #tpu.memory_space<semaphore_mem>>)
    %add3A_166 = arith.constant 11 : i32
    %add3A_167 = arith.addi %mul3A_6, %add3A_166 : i32
    %mul3A_168 = arith.constant 16384 : i32
    %mul3A_169 = arith.muli %add3A_167, %mul3A_168 : i32
    %add3A_170 = arith.addi %mul3A_169, %mul3A_4 : i32
    %dma_start3A_171 = arith.constant 11264 : i32
    %dma_start3A_172 = tpu.memref_slice %arg5[%dma_start3A_171] : memref<13312xi32, #tpu.memory_space<vmem>> -> memref<1024xi32, #tpu.memory_space<vmem>>
    %dma_start3A_173 = tpu.memref_slice %arg2[%add3A_170] : memref<425984xi32, #tpu.memory_space<hbm>> -> memref<1024xi32, #tpu.memory_space<hbm>>
    %dma_start3A_174 = arith.constant 11264 : i32
    %dma_start3A_175 = tpu.memref_slice %arg5[%dma_start3A_174] : memref<13312xi32, #tpu.memory_space<vmem>> -> memref<1024xi32, #tpu.memory_space<vmem>>
    %dma_start3A_176 = tpu.memref_slice %arg2[%add3A_170] : memref<425984xi32, #tpu.memory_space<hbm>> -> memref<1024xi32, #tpu.memory_space<hbm>>
    tpu.enqueue_dma source(%dma_start3A_176 : memref<1024xi32, #tpu.memory_space<hbm>>) target(%dma_start3A_175 : memref<1024xi32, #tpu.memory_space<vmem>>) target_semaphore(%arg9 : memref<!tpu.dma_semaphore, #tpu.memory_space<semaphore_mem>>)
    %add3A_177 = arith.constant 12 : i32
    %add3A_178 = arith.addi %mul3A_6, %add3A_177 : i32
    %mul3A_179 = arith.constant 16384 : i32
    %mul3A_180 = arith.muli %add3A_178, %mul3A_179 : i32
    %add3A_181 = arith.addi %mul3A_180, %mul3A_4 : i32
    %dma_start3A_182 = arith.constant 12288 : i32
    %dma_start3A_183 = tpu.memref_slice %arg5[%dma_start3A_182] : memref<13312xi32, #tpu.memory_space<vmem>> -> memref<1024xi32, #tpu.memory_space<vmem>>
    %dma_start3A_184 = tpu.memref_slice %arg2[%add3A_181] : memref<425984xi32, #tpu.memory_space<hbm>> -> memref<1024xi32, #tpu.memory_space<hbm>>
    %dma_start3A_185 = arith.constant 12288 : i32
    %dma_start3A_186 = tpu.memref_slice %arg5[%dma_start3A_185] : memref<13312xi32, #tpu.memory_space<vmem>> -> memref<1024xi32, #tpu.memory_space<vmem>>
    %dma_start3A_187 = tpu.memref_slice %arg2[%add3A_181] : memref<425984xi32, #tpu.memory_space<hbm>> -> memref<1024xi32, #tpu.memory_space<hbm>>
    tpu.enqueue_dma source(%dma_start3A_187 : memref<1024xi32, #tpu.memory_space<hbm>>) target(%dma_start3A_186 : memref<1024xi32, #tpu.memory_space<vmem>>) target_semaphore(%arg9 : memref<!tpu.dma_semaphore, #tpu.memory_space<semaphore_mem>>)
    %add3A_188 = arith.constant 0 : i32
    %add3A_189 = arith.addi %mul3A_2, %add3A_188 : i32
    %dma_start3A_190 = tpu.memref_slice %arg3[%add3A_189] : memref<425984000xi32, #tpu.memory_space<hbm>> -> memref<104000xi32, #tpu.memory_space<hbm>>
    %dma_start3A_191 = tpu.memref_slice %arg3[%add3A_189] : memref<425984000xi32, #tpu.memory_space<hbm>> -> memref<104000xi32, #tpu.memory_space<hbm>>
    tpu.enqueue_dma source(%arg4 : memref<104000xi32, #tpu.memory_space<vmem>>) target(%dma_start3A_191 : memref<104000xi32, #tpu.memory_space<hbm>>) target_semaphore(%arg8 : memref<!tpu.dma_semaphore, #tpu.memory_space<semaphore_mem>>)
    %add3A_192 = arith.constant 104000 : i32
    %add3A_193 = arith.addi %mul3A_2, %add3A_192 : i32
    %dma_start3A_194 = tpu.memref_slice %arg3[%add3A_193] : memref<425984000xi32, #tpu.memory_space<hbm>> -> memref<104000xi32, #tpu.memory_space<hbm>>
    %dma_start3A_195 = tpu.memref_slice %arg3[%add3A_193] : memref<425984000xi32, #tpu.memory_space<hbm>> -> memref<104000xi32, #tpu.memory_space<hbm>>
    tpu.enqueue_dma source(%arg4 : memref<104000xi32, #tpu.memory_space<vmem>>) target(%dma_start3A_195 : memref<104000xi32, #tpu.memory_space<hbm>>) target_semaphore(%arg8 : memref<!tpu.dma_semaphore, #tpu.memory_space<semaphore_mem>>)
    %add3A_196 = arith.constant 208000 : i32
    %add3A_197 = arith.addi %mul3A_2, %add3A_196 : i32
    %dma_start3A_198 = tpu.memref_slice %arg3[%add3A_197] : memref<425984000xi32, #tpu.memory_space<hbm>> -> memref<104000xi32, #tpu.memory_space<hbm>>
    %dma_start3A_199 = tpu.memref_slice %arg3[%add3A_197] : memref<425984000xi32, #tpu.memory_space<hbm>> -> memref<104000xi32, #tpu.memory_space<hbm>>
    tpu.enqueue_dma source(%arg4 : memref<104000xi32, #tpu.memory_space<vmem>>) target(%dma_start3A_199 : memref<104000xi32, #tpu.memory_space<hbm>>) target_semaphore(%arg8 : memref<!tpu.dma_semaphore, #tpu.memory_space<semaphore_mem>>)
    %add3A_200 = arith.constant 312000 : i32
    %add3A_201 = arith.addi %mul3A_2, %add3A_200 : i32
    %dma_start3A_202 = tpu.memref_slice %arg3[%add3A_201] : memref<425984000xi32, #tpu.memory_space<hbm>> -> memref<104000xi32, #tpu.memory_space<hbm>>
    %dma_start3A_203 = tpu.memref_slice %arg3[%add3A_201] : memref<425984000xi32, #tpu.memory_space<hbm>> -> memref<104000xi32, #tpu.memory_space<hbm>>
    tpu.enqueue_dma source(%arg4 : memref<104000xi32, #tpu.memory_space<vmem>>) target(%dma_start3A_203 : memref<104000xi32, #tpu.memory_space<hbm>>) target_semaphore(%arg8 : memref<!tpu.dma_semaphore, #tpu.memory_space<semaphore_mem>>)
    %add3A_204 = arith.constant 416000 : i32
    %add3A_205 = arith.addi %mul3A_2, %add3A_204 : i32
    %dma_start3A_206 = tpu.memref_slice %arg3[%add3A_205] : memref<425984000xi32, #tpu.memory_space<hbm>> -> memref<104000xi32, #tpu.memory_space<hbm>>
    %dma_start3A_207 = tpu.memref_slice %arg3[%add3A_205] : memref<425984000xi32, #tpu.memory_space<hbm>> -> memref<104000xi32, #tpu.memory_space<hbm>>
    tpu.enqueue_dma source(%arg4 : memref<104000xi32, #tpu.memory_space<vmem>>) target(%dma_start3A_207 : memref<104000xi32, #tpu.memory_space<hbm>>) target_semaphore(%arg8 : memref<!tpu.dma_semaphore, #tpu.memory_space<semaphore_mem>>)
    %add3A_208 = arith.constant 520000 : i32
    %add3A_209 = arith.addi %mul3A_2, %add3A_208 : i32
    %dma_start3A_210 = tpu.memref_slice %arg3[%add3A_209] : memref<425984000xi32, #tpu.memory_space<hbm>> -> memref<104000xi32, #tpu.memory_space<hbm>>
    %dma_start3A_211 = tpu.memref_slice %arg3[%add3A_209] : memref<425984000xi32, #tpu.memory_space<hbm>> -> memref<104000xi32, #tpu.memory_space<hbm>>
    tpu.enqueue_dma source(%arg4 : memref<104000xi32, #tpu.memory_space<vmem>>) target(%dma_start3A_211 : memref<104000xi32, #tpu.memory_space<hbm>>) target_semaphore(%arg8 : memref<!tpu.dma_semaphore, #tpu.memory_space<semaphore_mem>>)
    %add3A_212 = arith.constant 624000 : i32
    %add3A_213 = arith.addi %mul3A_2, %add3A_212 : i32
    %dma_start3A_214 = tpu.memref_slice %arg3[%add3A_213] : memref<425984000xi32, #tpu.memory_space<hbm>> -> memref<104000xi32, #tpu.memory_space<hbm>>
    %dma_start3A_215 = tpu.memref_slice %arg3[%add3A_213] : memref<425984000xi32, #tpu.memory_space<hbm>> -> memref<104000xi32, #tpu.memory_space<hbm>>
    tpu.enqueue_dma source(%arg4 : memref<104000xi32, #tpu.memory_space<vmem>>) target(%dma_start3A_215 : memref<104000xi32, #tpu.memory_space<hbm>>) target_semaphore(%arg8 : memref<!tpu.dma_semaphore, #tpu.memory_space<semaphore_mem>>)
    %add3A_216 = arith.constant 728000 : i32
    %add3A_217 = arith.addi %mul3A_2, %add3A_216 : i32
    %dma_start3A_218 = tpu.memref_slice %arg3[%add3A_217] : memref<425984000xi32, #tpu.memory_space<hbm>> -> memref<104000xi32, #tpu.memory_space<hbm>>
    %dma_start3A_219 = tpu.memref_slice %arg3[%add3A_217] : memref<425984000xi32, #tpu.memory_space<hbm>> -> memref<104000xi32, #tpu.memory_space<hbm>>
    tpu.enqueue_dma source(%arg4 : memref<104000xi32, #tpu.memory_space<vmem>>) target(%dma_start3A_219 : memref<104000xi32, #tpu.memory_space<hbm>>) target_semaphore(%arg8 : memref<!tpu.dma_semaphore, #tpu.memory_space<semaphore_mem>>)
    %scan3A_220 = arith.constant 0 : i32
    %scan3A_221 = arith.constant 0 : i32
    %scan3A_222 = arith.constant 120 : i32
    %scan3A_223 = arith.addi %scan3A_221, %scan3A_222 : i32
    %scan3A_224 = arith.constant 1 : i32
    scf.for %scan3A_434 = %scan3A_221 to %scan3A_223 step %scan3A_224  : i32 {
      %add3A_435 = arith.constant 8 : i32
      %add3A_436 = arith.addi %scan3A_434, %add3A_435 : i32
      %lt3A = arith.constant 128 : i32
      %lt3A_437 = arith.cmpi slt, %add3A_436, %lt3A : i32
      %convert_element_type3A = arith.extui %lt3A_437 : i1 to i32
      %cond3A = arith.constant 0 : i32
      %cond3A_438 = arith.cmpi ne, %convert_element_type3A, %cond3A : i32
      scf.if %cond3A_438 {
        %add3A_441 = arith.constant 8 : i32
        %add3A_442 = arith.addi %scan3A_434, %add3A_441 : i32
        %mul3A_443 = arith.constant 104000 : i32
        %mul3A_444 = arith.muli %add3A_442, %mul3A_443 : i32
        %add3A_445 = arith.addi %mul3A_2, %mul3A_444 : i32
        %dma_start3A_446 = tpu.memref_slice %arg3[%add3A_445] : memref<425984000xi32, #tpu.memory_space<hbm>> -> memref<104000xi32, #tpu.memory_space<hbm>>
        %dma_start3A_447 = tpu.memref_slice %arg3[%add3A_445] : memref<425984000xi32, #tpu.memory_space<hbm>> -> memref<104000xi32, #tpu.memory_space<hbm>>
        tpu.enqueue_dma source(%arg4 : memref<104000xi32, #tpu.memory_space<vmem>>) target(%dma_start3A_447 : memref<104000xi32, #tpu.memory_space<hbm>>) target_semaphore(%arg8 : memref<!tpu.dma_semaphore, #tpu.memory_space<semaphore_mem>>)
      } else {
      }
      %dma_wait3A_439 = tpu.memref_slice %arg3[%mul3A_2] : memref<425984000xi32, #tpu.memory_space<hbm>> -> memref<104000xi32, #tpu.memory_space<hbm>>
      %dma_wait3A_440 = tpu.memref_slice %arg3[%mul3A_2] : memref<425984000xi32, #tpu.memory_space<hbm>> -> memref<104000xi32, #tpu.memory_space<hbm>>
      tpu.wait_dma2 semaphore(%arg8 : memref<!tpu.dma_semaphore, #tpu.memory_space<semaphore_mem>>) src(%arg4 : memref<104000xi32, #tpu.memory_space<vmem>>) dst(%dma_wait3A_440 : memref<104000xi32, #tpu.memory_space<hbm>>)
    }
    %scan3A_225 = arith.constant 120 : i32
    %add3A_226 = arith.constant 0 : i32
    %add3A_227 = arith.addi %mul3A_6, %add3A_226 : i32
    %mul3A_228 = arith.constant 16384 : i32
    %mul3A_229 = arith.muli %add3A_227, %mul3A_228 : i32
    %add3A_230 = arith.addi %mul3A_229, %mul3A_4 : i32
    %dma_wait3A = arith.constant 0 : i32
    %dma_wait3A_231 = tpu.memref_slice %arg5[%dma_wait3A] : memref<13312xi32, #tpu.memory_space<vmem>> -> memref<1024xi32, #tpu.memory_space<vmem>>
    %dma_wait3A_232 = tpu.memref_slice %arg2[%add3A_230] : memref<425984xi32, #tpu.memory_space<hbm>> -> memref<1024xi32, #tpu.memory_space<hbm>>
    %dma_wait3A_233 = arith.constant 0 : i32
    %dma_wait3A_234 = tpu.memref_slice %arg5[%dma_wait3A_233] : memref<13312xi32, #tpu.memory_space<vmem>> -> memref<1024xi32, #tpu.memory_space<vmem>>
    %dma_wait3A_235 = tpu.memref_slice %arg2[%add3A_230] : memref<425984xi32, #tpu.memory_space<hbm>> -> memref<1024xi32, #tpu.memory_space<hbm>>
    tpu.wait_dma2 semaphore(%arg9 : memref<!tpu.dma_semaphore, #tpu.memory_space<semaphore_mem>>) src(%dma_wait3A_235 : memref<1024xi32, #tpu.memory_space<hbm>>) dst(%dma_wait3A_234 : memref<1024xi32, #tpu.memory_space<vmem>>)
    %add3A_236 = arith.constant 1 : i32
    %add3A_237 = arith.addi %mul3A_6, %add3A_236 : i32
    %mul3A_238 = arith.constant 16384 : i32
    %mul3A_239 = arith.muli %add3A_237, %mul3A_238 : i32
    %add3A_240 = arith.addi %mul3A_239, %mul3A_4 : i32
    %dma_wait3A_241 = arith.constant 1024 : i32
    %dma_wait3A_242 = tpu.memref_slice %arg5[%dma_wait3A_241] : memref<13312xi32, #tpu.memory_space<vmem>> -> memref<1024xi32, #tpu.memory_space<vmem>>
    %dma_wait3A_243 = tpu.memref_slice %arg2[%add3A_240] : memref<425984xi32, #tpu.memory_space<hbm>> -> memref<1024xi32, #tpu.memory_space<hbm>>
    %dma_wait3A_244 = arith.constant 1024 : i32
    %dma_wait3A_245 = tpu.memref_slice %arg5[%dma_wait3A_244] : memref<13312xi32, #tpu.memory_space<vmem>> -> memref<1024xi32, #tpu.memory_space<vmem>>
    %dma_wait3A_246 = tpu.memref_slice %arg2[%add3A_240] : memref<425984xi32, #tpu.memory_space<hbm>> -> memref<1024xi32, #tpu.memory_space<hbm>>
    tpu.wait_dma2 semaphore(%arg9 : memref<!tpu.dma_semaphore, #tpu.memory_space<semaphore_mem>>) src(%dma_wait3A_246 : memref<1024xi32, #tpu.memory_space<hbm>>) dst(%dma_wait3A_245 : memref<1024xi32, #tpu.memory_space<vmem>>)
    %add3A_247 = arith.constant 2 : i32
    %add3A_248 = arith.addi %mul3A_6, %add3A_247 : i32
    %mul3A_249 = arith.constant 16384 : i32
    %mul3A_250 = arith.muli %add3A_248, %mul3A_249 : i32
    %add3A_251 = arith.addi %mul3A_250, %mul3A_4 : i32
    %dma_wait3A_252 = arith.constant 2048 : i32
    %dma_wait3A_253 = tpu.memref_slice %arg5[%dma_wait3A_252] : memref<13312xi32, #tpu.memory_space<vmem>> -> memref<1024xi32, #tpu.memory_space<vmem>>
    %dma_wait3A_254 = tpu.memref_slice %arg2[%add3A_251] : memref<425984xi32, #tpu.memory_space<hbm>> -> memref<1024xi32, #tpu.memory_space<hbm>>
    %dma_wait3A_255 = arith.constant 2048 : i32
    %dma_wait3A_256 = tpu.memref_slice %arg5[%dma_wait3A_255] : memref<13312xi32, #tpu.memory_space<vmem>> -> memref<1024xi32, #tpu.memory_space<vmem>>
    %dma_wait3A_257 = tpu.memref_slice %arg2[%add3A_251] : memref<425984xi32, #tpu.memory_space<hbm>> -> memref<1024xi32, #tpu.memory_space<hbm>>
    tpu.wait_dma2 semaphore(%arg9 : memref<!tpu.dma_semaphore, #tpu.memory_space<semaphore_mem>>) src(%dma_wait3A_257 : memref<1024xi32, #tpu.memory_space<hbm>>) dst(%dma_wait3A_256 : memref<1024xi32, #tpu.memory_space<vmem>>)
    %add3A_258 = arith.constant 3 : i32
    %add3A_259 = arith.addi %mul3A_6, %add3A_258 : i32
    %mul3A_260 = arith.constant 16384 : i32
    %mul3A_261 = arith.muli %add3A_259, %mul3A_260 : i32
    %add3A_262 = arith.addi %mul3A_261, %mul3A_4 : i32
    %dma_wait3A_263 = arith.constant 3072 : i32
    %dma_wait3A_264 = tpu.memref_slice %arg5[%dma_wait3A_263] : memref<13312xi32, #tpu.memory_space<vmem>> -> memref<1024xi32, #tpu.memory_space<vmem>>
    %dma_wait3A_265 = tpu.memref_slice %arg2[%add3A_262] : memref<425984xi32, #tpu.memory_space<hbm>> -> memref<1024xi32, #tpu.memory_space<hbm>>
    %dma_wait3A_266 = arith.constant 3072 : i32
    %dma_wait3A_267 = tpu.memref_slice %arg5[%dma_wait3A_266] : memref<13312xi32, #tpu.memory_space<vmem>> -> memref<1024xi32, #tpu.memory_space<vmem>>
    %dma_wait3A_268 = tpu.memref_slice %arg2[%add3A_262] : memref<425984xi32, #tpu.memory_space<hbm>> -> memref<1024xi32, #tpu.memory_space<hbm>>
    tpu.wait_dma2 semaphore(%arg9 : memref<!tpu.dma_semaphore, #tpu.memory_space<semaphore_mem>>) src(%dma_wait3A_268 : memref<1024xi32, #tpu.memory_space<hbm>>) dst(%dma_wait3A_267 : memref<1024xi32, #tpu.memory_space<vmem>>)
    %add3A_269 = arith.constant 4 : i32
    %add3A_270 = arith.addi %mul3A_6, %add3A_269 : i32
    %mul3A_271 = arith.constant 16384 : i32
    %mul3A_272 = arith.muli %add3A_270, %mul3A_271 : i32
    %add3A_273 = arith.addi %mul3A_272, %mul3A_4 : i32
    %dma_wait3A_274 = arith.constant 4096 : i32
    %dma_wait3A_275 = tpu.memref_slice %arg5[%dma_wait3A_274] : memref<13312xi32, #tpu.memory_space<vmem>> -> memref<1024xi32, #tpu.memory_space<vmem>>
    %dma_wait3A_276 = tpu.memref_slice %arg2[%add3A_273] : memref<425984xi32, #tpu.memory_space<hbm>> -> memref<1024xi32, #tpu.memory_space<hbm>>
    %dma_wait3A_277 = arith.constant 4096 : i32
    %dma_wait3A_278 = tpu.memref_slice %arg5[%dma_wait3A_277] : memref<13312xi32, #tpu.memory_space<vmem>> -> memref<1024xi32, #tpu.memory_space<vmem>>
    %dma_wait3A_279 = tpu.memref_slice %arg2[%add3A_273] : memref<425984xi32, #tpu.memory_space<hbm>> -> memref<1024xi32, #tpu.memory_space<hbm>>
    tpu.wait_dma2 semaphore(%arg9 : memref<!tpu.dma_semaphore, #tpu.memory_space<semaphore_mem>>) src(%dma_wait3A_279 : memref<1024xi32, #tpu.memory_space<hbm>>) dst(%dma_wait3A_278 : memref<1024xi32, #tpu.memory_space<vmem>>)
    %add3A_280 = arith.constant 5 : i32
    %add3A_281 = arith.addi %mul3A_6, %add3A_280 : i32
    %mul3A_282 = arith.constant 16384 : i32
    %mul3A_283 = arith.muli %add3A_281, %mul3A_282 : i32
    %add3A_284 = arith.addi %mul3A_283, %mul3A_4 : i32
    %dma_wait3A_285 = arith.constant 5120 : i32
    %dma_wait3A_286 = tpu.memref_slice %arg5[%dma_wait3A_285] : memref<13312xi32, #tpu.memory_space<vmem>> -> memref<1024xi32, #tpu.memory_space<vmem>>
    %dma_wait3A_287 = tpu.memref_slice %arg2[%add3A_284] : memref<425984xi32, #tpu.memory_space<hbm>> -> memref<1024xi32, #tpu.memory_space<hbm>>
    %dma_wait3A_288 = arith.constant 5120 : i32
    %dma_wait3A_289 = tpu.memref_slice %arg5[%dma_wait3A_288] : memref<13312xi32, #tpu.memory_space<vmem>> -> memref<1024xi32, #tpu.memory_space<vmem>>
    %dma_wait3A_290 = tpu.memref_slice %arg2[%add3A_284] : memref<425984xi32, #tpu.memory_space<hbm>> -> memref<1024xi32, #tpu.memory_space<hbm>>
    tpu.wait_dma2 semaphore(%arg9 : memref<!tpu.dma_semaphore, #tpu.memory_space<semaphore_mem>>) src(%dma_wait3A_290 : memref<1024xi32, #tpu.memory_space<hbm>>) dst(%dma_wait3A_289 : memref<1024xi32, #tpu.memory_space<vmem>>)
    %add3A_291 = arith.constant 6 : i32
    %add3A_292 = arith.addi %mul3A_6, %add3A_291 : i32
    %mul3A_293 = arith.constant 16384 : i32
    %mul3A_294 = arith.muli %add3A_292, %mul3A_293 : i32
    %add3A_295 = arith.addi %mul3A_294, %mul3A_4 : i32
    %dma_wait3A_296 = arith.constant 6144 : i32
    %dma_wait3A_297 = tpu.memref_slice %arg5[%dma_wait3A_296] : memref<13312xi32, #tpu.memory_space<vmem>> -> memref<1024xi32, #tpu.memory_space<vmem>>
    %dma_wait3A_298 = tpu.memref_slice %arg2[%add3A_295] : memref<425984xi32, #tpu.memory_space<hbm>> -> memref<1024xi32, #tpu.memory_space<hbm>>
    %dma_wait3A_299 = arith.constant 6144 : i32
    %dma_wait3A_300 = tpu.memref_slice %arg5[%dma_wait3A_299] : memref<13312xi32, #tpu.memory_space<vmem>> -> memref<1024xi32, #tpu.memory_space<vmem>>
    %dma_wait3A_301 = tpu.memref_slice %arg2[%add3A_295] : memref<425984xi32, #tpu.memory_space<hbm>> -> memref<1024xi32, #tpu.memory_space<hbm>>
    tpu.wait_dma2 semaphore(%arg9 : memref<!tpu.dma_semaphore, #tpu.memory_space<semaphore_mem>>) src(%dma_wait3A_301 : memref<1024xi32, #tpu.memory_space<hbm>>) dst(%dma_wait3A_300 : memref<1024xi32, #tpu.memory_space<vmem>>)
    %add3A_302 = arith.constant 7 : i32
    %add3A_303 = arith.addi %mul3A_6, %add3A_302 : i32
    %mul3A_304 = arith.constant 16384 : i32
    %mul3A_305 = arith.muli %add3A_303, %mul3A_304 : i32
    %add3A_306 = arith.addi %mul3A_305, %mul3A_4 : i32
    %dma_wait3A_307 = arith.constant 7168 : i32
    %dma_wait3A_308 = tpu.memref_slice %arg5[%dma_wait3A_307] : memref<13312xi32, #tpu.memory_space<vmem>> -> memref<1024xi32, #tpu.memory_space<vmem>>
    %dma_wait3A_309 = tpu.memref_slice %arg2[%add3A_306] : memref<425984xi32, #tpu.memory_space<hbm>> -> memref<1024xi32, #tpu.memory_space<hbm>>
    %dma_wait3A_310 = arith.constant 7168 : i32
    %dma_wait3A_311 = tpu.memref_slice %arg5[%dma_wait3A_310] : memref<13312xi32, #tpu.memory_space<vmem>> -> memref<1024xi32, #tpu.memory_space<vmem>>
    %dma_wait3A_312 = tpu.memref_slice %arg2[%add3A_306] : memref<425984xi32, #tpu.memory_space<hbm>> -> memref<1024xi32, #tpu.memory_space<hbm>>
    tpu.wait_dma2 semaphore(%arg9 : memref<!tpu.dma_semaphore, #tpu.memory_space<semaphore_mem>>) src(%dma_wait3A_312 : memref<1024xi32, #tpu.memory_space<hbm>>) dst(%dma_wait3A_311 : memref<1024xi32, #tpu.memory_space<vmem>>)
    %add3A_313 = arith.constant 8 : i32
    %add3A_314 = arith.addi %mul3A_6, %add3A_313 : i32
    %mul3A_315 = arith.constant 16384 : i32
    %mul3A_316 = arith.muli %add3A_314, %mul3A_315 : i32
    %add3A_317 = arith.addi %mul3A_316, %mul3A_4 : i32
    %dma_wait3A_318 = arith.constant 8192 : i32
    %dma_wait3A_319 = tpu.memref_slice %arg5[%dma_wait3A_318] : memref<13312xi32, #tpu.memory_space<vmem>> -> memref<1024xi32, #tpu.memory_space<vmem>>
    %dma_wait3A_320 = tpu.memref_slice %arg2[%add3A_317] : memref<425984xi32, #tpu.memory_space<hbm>> -> memref<1024xi32, #tpu.memory_space<hbm>>
    %dma_wait3A_321 = arith.constant 8192 : i32
    %dma_wait3A_322 = tpu.memref_slice %arg5[%dma_wait3A_321] : memref<13312xi32, #tpu.memory_space<vmem>> -> memref<1024xi32, #tpu.memory_space<vmem>>
    %dma_wait3A_323 = tpu.memref_slice %arg2[%add3A_317] : memref<425984xi32, #tpu.memory_space<hbm>> -> memref<1024xi32, #tpu.memory_space<hbm>>
    tpu.wait_dma2 semaphore(%arg9 : memref<!tpu.dma_semaphore, #tpu.memory_space<semaphore_mem>>) src(%dma_wait3A_323 : memref<1024xi32, #tpu.memory_space<hbm>>) dst(%dma_wait3A_322 : memref<1024xi32, #tpu.memory_space<vmem>>)
    %add3A_324 = arith.constant 9 : i32
    %add3A_325 = arith.addi %mul3A_6, %add3A_324 : i32
    %mul3A_326 = arith.constant 16384 : i32
    %mul3A_327 = arith.muli %add3A_325, %mul3A_326 : i32
    %add3A_328 = arith.addi %mul3A_327, %mul3A_4 : i32
    %dma_wait3A_329 = arith.constant 9216 : i32
    %dma_wait3A_330 = tpu.memref_slice %arg5[%dma_wait3A_329] : memref<13312xi32, #tpu.memory_space<vmem>> -> memref<1024xi32, #tpu.memory_space<vmem>>
    %dma_wait3A_331 = tpu.memref_slice %arg2[%add3A_328] : memref<425984xi32, #tpu.memory_space<hbm>> -> memref<1024xi32, #tpu.memory_space<hbm>>
    %dma_wait3A_332 = arith.constant 9216 : i32
    %dma_wait3A_333 = tpu.memref_slice %arg5[%dma_wait3A_332] : memref<13312xi32, #tpu.memory_space<vmem>> -> memref<1024xi32, #tpu.memory_space<vmem>>
    %dma_wait3A_334 = tpu.memref_slice %arg2[%add3A_328] : memref<425984xi32, #tpu.memory_space<hbm>> -> memref<1024xi32, #tpu.memory_space<hbm>>
    tpu.wait_dma2 semaphore(%arg9 : memref<!tpu.dma_semaphore, #tpu.memory_space<semaphore_mem>>) src(%dma_wait3A_334 : memref<1024xi32, #tpu.memory_space<hbm>>) dst(%dma_wait3A_333 : memref<1024xi32, #tpu.memory_space<vmem>>)
    %add3A_335 = arith.constant 10 : i32
    %add3A_336 = arith.addi %mul3A_6, %add3A_335 : i32
    %mul3A_337 = arith.constant 16384 : i32
    %mul3A_338 = arith.muli %add3A_336, %mul3A_337 : i32
    %add3A_339 = arith.addi %mul3A_338, %mul3A_4 : i32
    %dma_wait3A_340 = arith.constant 10240 : i32
    %dma_wait3A_341 = tpu.memref_slice %arg5[%dma_wait3A_340] : memref<13312xi32, #tpu.memory_space<vmem>> -> memref<1024xi32, #tpu.memory_space<vmem>>
    %dma_wait3A_342 = tpu.memref_slice %arg2[%add3A_339] : memref<425984xi32, #tpu.memory_space<hbm>> -> memref<1024xi32, #tpu.memory_space<hbm>>
    %dma_wait3A_343 = arith.constant 10240 : i32
    %dma_wait3A_344 = tpu.memref_slice %arg5[%dma_wait3A_343] : memref<13312xi32, #tpu.memory_space<vmem>> -> memref<1024xi32, #tpu.memory_space<vmem>>
    %dma_wait3A_345 = tpu.memref_slice %arg2[%add3A_339] : memref<425984xi32, #tpu.memory_space<hbm>> -> memref<1024xi32, #tpu.memory_space<hbm>>
    tpu.wait_dma2 semaphore(%arg9 : memref<!tpu.dma_semaphore, #tpu.memory_space<semaphore_mem>>) src(%dma_wait3A_345 : memref<1024xi32, #tpu.memory_space<hbm>>) dst(%dma_wait3A_344 : memref<1024xi32, #tpu.memory_space<vmem>>)
    %add3A_346 = arith.constant 11 : i32
    %add3A_347 = arith.addi %mul3A_6, %add3A_346 : i32
    %mul3A_348 = arith.constant 16384 : i32
    %mul3A_349 = arith.muli %add3A_347, %mul3A_348 : i32
    %add3A_350 = arith.addi %mul3A_349, %mul3A_4 : i32
    %dma_wait3A_351 = arith.constant 11264 : i32
    %dma_wait3A_352 = tpu.memref_slice %arg5[%dma_wait3A_351] : memref<13312xi32, #tpu.memory_space<vmem>> -> memref<1024xi32, #tpu.memory_space<vmem>>
    %dma_wait3A_353 = tpu.memref_slice %arg2[%add3A_350] : memref<425984xi32, #tpu.memory_space<hbm>> -> memref<1024xi32, #tpu.memory_space<hbm>>
    %dma_wait3A_354 = arith.constant 11264 : i32
    %dma_wait3A_355 = tpu.memref_slice %arg5[%dma_wait3A_354] : memref<13312xi32, #tpu.memory_space<vmem>> -> memref<1024xi32, #tpu.memory_space<vmem>>
    %dma_wait3A_356 = tpu.memref_slice %arg2[%add3A_350] : memref<425984xi32, #tpu.memory_space<hbm>> -> memref<1024xi32, #tpu.memory_space<hbm>>
    tpu.wait_dma2 semaphore(%arg9 : memref<!tpu.dma_semaphore, #tpu.memory_space<semaphore_mem>>) src(%dma_wait3A_356 : memref<1024xi32, #tpu.memory_space<hbm>>) dst(%dma_wait3A_355 : memref<1024xi32, #tpu.memory_space<vmem>>)
    %add3A_357 = arith.constant 12 : i32
    %add3A_358 = arith.addi %mul3A_6, %add3A_357 : i32
    %mul3A_359 = arith.constant 16384 : i32
    %mul3A_360 = arith.muli %add3A_358, %mul3A_359 : i32
    %add3A_361 = arith.addi %mul3A_360, %mul3A_4 : i32
    %dma_wait3A_362 = arith.constant 12288 : i32
    %dma_wait3A_363 = tpu.memref_slice %arg5[%dma_wait3A_362] : memref<13312xi32, #tpu.memory_space<vmem>> -> memref<1024xi32, #tpu.memory_space<vmem>>
    %dma_wait3A_364 = tpu.memref_slice %arg2[%add3A_361] : memref<425984xi32, #tpu.memory_space<hbm>> -> memref<1024xi32, #tpu.memory_space<hbm>>
    %dma_wait3A_365 = arith.constant 12288 : i32
    %dma_wait3A_366 = tpu.memref_slice %arg5[%dma_wait3A_365] : memref<13312xi32, #tpu.memory_space<vmem>> -> memref<1024xi32, #tpu.memory_space<vmem>>
    %dma_wait3A_367 = tpu.memref_slice %arg2[%add3A_361] : memref<425984xi32, #tpu.memory_space<hbm>> -> memref<1024xi32, #tpu.memory_space<hbm>>
    tpu.wait_dma2 semaphore(%arg9 : memref<!tpu.dma_semaphore, #tpu.memory_space<semaphore_mem>>) src(%dma_wait3A_367 : memref<1024xi32, #tpu.memory_space<hbm>>) dst(%dma_wait3A_366 : memref<1024xi32, #tpu.memory_space<vmem>>)
    %iota3A = tpu.iota {dimensions = array<i32: 0>} : vector<16xi32>
    %scan3A_368 = arith.constant 0 : i32
    %scan3A_369 = arith.constant 0 : i32
    %scan3A_370 = arith.constant 832 : i32
    %scan3A_371 = arith.addi %scan3A_369, %scan3A_370 : i32
    %scan3A_372 = arith.constant 1 : i32
    scf.for %scan3A_434 = %scan3A_369 to %scan3A_371 step %scan3A_372  : i32 {
      %shift_right_arithmetic3A = arith.constant 6 : i32
      %shift_right_arithmetic3A_435 = arith.shrsi %scan3A_434, %shift_right_arithmetic3A : i32
      %and3A = arith.constant 63 : i32
      %and3A_436 = arith.andi %scan3A_434, %and3A : i32
      %mul3A_437 = arith.constant 16 : i32
      %mul3A_438 = arith.muli %and3A_436, %mul3A_437 : i32
      %mul3A_439 = arith.constant 16 : i32
      %mul3A_440 = arith.muli %scan3A_434, %mul3A_439 : i32
      %get3A = arith.index_cast %mul3A_440 : i32 to index
      %get3A_441 = tpu.vector_load %arg5[%get3A] {strides = array<i32>} : memref<13312xi32, #tpu.memory_space<vmem>>, vector<16xi32>,
      %get3A_442 = vector.shape_cast %get3A_441 : vector<16xi32> to vector<16xi32>
      %add3A_443 = arith.addi %mul3A_6, %shift_right_arithmetic3A_435 : i32
      %add3A_444 = arith.addi %mul3A_4, %mul3A_438 : i32
      %add3A_445 = vector.broadcast %add3A_444 : i32 to vector<16xi32>
      %add3A_446 = arith.addi %add3A_445, %iota3A : vector<16xi32>
      %mul3A_447 = arith.constant 16384000 : i32
      %mul3A_448 = arith.muli %add3A_443, %mul3A_447 : i32
      %shift_right_arithmetic3A_449 = arith.constant 3 : i32
      %shift_right_arithmetic3A_450 = vector.broadcast %shift_right_arithmetic3A_449 : i32 to vector<16xi32>
      %shift_right_arithmetic3A_451 = arith.shrsi %get3A_442, %shift_right_arithmetic3A_450 : vector<16xi32>
      %shift_left3A = arith.constant 17 : i32
      %shift_left3A_452 = vector.broadcast %shift_left3A : i32 to vector<16xi32>
      %shift_left3A_453 = arith.shli %shift_right_arithmetic3A_451, %shift_left3A_452 : vector<16xi32>
      %add3A_454 = vector.broadcast %mul3A_448 : i32 to vector<16xi32>
      %add3A_455 = arith.addi %add3A_454, %shift_left3A_453 : vector<16xi32>
      %shift_right_arithmetic3A_456 = arith.constant 7 : i32
      %shift_right_arithmetic3A_457 = vector.broadcast %shift_right_arithmetic3A_456 : i32 to vector<16xi32>
      %shift_right_arithmetic3A_458 = arith.shrsi %add3A_446, %shift_right_arithmetic3A_457 : vector<16xi32>
      %shift_left3A_459 = arith.constant 10 : i32
      %shift_left3A_460 = vector.broadcast %shift_left3A_459 : i32 to vector<16xi32>
      %shift_left3A_461 = arith.shli %shift_right_arithmetic3A_458, %shift_left3A_460 : vector<16xi32>
      %add3A_462 = arith.addi %add3A_455, %shift_left3A_461 : vector<16xi32>
      %and3A_463 = arith.constant 7 : i32
      %and3A_464 = vector.broadcast %and3A_463 : i32 to vector<16xi32>
      %and3A_465 = arith.andi %get3A_442, %and3A_464 : vector<16xi32>
      %shift_left3A_466 = arith.constant 7 : i32
      %shift_left3A_467 = vector.broadcast %shift_left3A_466 : i32 to vector<16xi32>
      %shift_left3A_468 = arith.shli %and3A_465, %shift_left3A_467 : vector<16xi32>
      %add3A_469 = arith.addi %add3A_462, %shift_left3A_468 : vector<16xi32>
      %and3A_470 = arith.constant 127 : i32
      %and3A_471 = vector.broadcast %and3A_470 : i32 to vector<16xi32>
      %and3A_472 = arith.andi %add3A_446, %and3A_471 : vector<16xi32>
      %add3A_473 = arith.addi %add3A_469, %and3A_472 : vector<16xi32>
      %shift_right_arithmetic3A_474 = arith.constant 3 : i32
      %shift_right_arithmetic3A_475 = arith.shrsi %scan3A_434, %shift_right_arithmetic3A_474 : i32
      %and3A_476 = arith.constant 7 : i32
      %and3A_477 = arith.andi %scan3A_434, %and3A_476 : i32
      %mul3A_478 = arith.constant 16 : i32
      %mul3A_479 = arith.muli %and3A_477, %mul3A_478 : i32
      %swap3A_480 = arith.index_cast %shift_right_arithmetic3A_475 : i32 to index
      %swap3A_481 = arith.index_cast %mul3A_479 : i32 to index
      %swap3A_482 = tpu.vector_load %arg6[%swap3A_480, %swap3A_481] {strides = array<i32>} : memref<104x128xi32, #tpu.memory_space<vmem>>, vector<1x16xi32>,
      %swap3A_483 = vector.shape_cast %swap3A_482 : vector<1x16xi32> to vector<16xi32>
      %swap3A_484 = vector.shape_cast %add3A_473 : vector<16xi32> to vector<1x16xi32>
      tpu.vector_store %arg6[%swap3A_480, %swap3A_481], %swap3A_484 {strides = array<i32>} : memref<104x128xi32, #tpu.memory_space<vmem>>, vector<1x16xi32>,
    }
    %scan3A_373 = arith.constant 832 : i32
    %scan3A_374 = arith.constant 0 : i32
    %scan3A_375 = arith.constant 0 : i32
    %scan3A_376 = arith.constant 8 : i32
    %scan3A_377 = arith.addi %scan3A_375, %scan3A_376 : i32
    %scan3A_378 = arith.constant 1 : i32
    scf.for %scan3A_434 = %scan3A_375 to %scan3A_377 step %scan3A_378  : i32 {
      %dma_wait3A_435 = tpu.memref_slice %arg3[%mul3A_2] : memref<425984000xi32, #tpu.memory_space<hbm>> -> memref<104000xi32, #tpu.memory_space<hbm>>
      %dma_wait3A_436 = tpu.memref_slice %arg3[%mul3A_2] : memref<425984000xi32, #tpu.memory_space<hbm>> -> memref<104000xi32, #tpu.memory_space<hbm>>
      tpu.wait_dma2 semaphore(%arg8 : memref<!tpu.dma_semaphore, #tpu.memory_space<semaphore_mem>>) src(%arg4 : memref<104000xi32, #tpu.memory_space<vmem>>) dst(%dma_wait3A_436 : memref<104000xi32, #tpu.memory_space<hbm>>)
    }
    %scan3A_379 = arith.constant 8 : i32
    %barrier3A = arith.constant 0 : index
    tpu.barrier barrier_id(%barrier3A)
    %dma_start3A_380 = arith.constant 0 : i32
    %dma_start3A_381 = arith.constant 0 : i32
    %dma_start3A_382 = tpu.memref_slice %arg6[%dma_start3A_380, %dma_start3A_381] : memref<104x128xi32, #tpu.memory_space<vmem>> -> memref<1x128xi32, #tpu.memory_space<vmem>>
    %dma_start3A_383 = tpu.memref_squeeze %dma_start3A_382 : memref<1x128xi32, #tpu.memory_space<vmem>> -> memref<128xi32, #tpu.memory_space<vmem>>
    %dma_start3A_384 = arith.constant 0 : i32
    %dma_start3A_385 = tpu.memref_slice %arg3[%dma_start3A_384] : memref<425984000xi32, #tpu.memory_space<hbm>> -> memref<425984000xi32, #tpu.memory_space<hbm>>
    tpu.enqueue_indirect_dma source(%arg7 : memref<128xi32, #tpu.memory_space<vmem>>) target(%dma_start3A_385 : memref<425984000xi32, #tpu.memory_space<hbm>>) offsets(%dma_start3A_383 : memref<128xi32, #tpu.memory_space<vmem>>) semaphore(%arg10 : memref<!tpu.dma_semaphore, #tpu.memory_space<semaphore_mem>>)
    %dma_start3A_386 = arith.constant 1 : i32
    %dma_start3A_387 = arith.constant 0 : i32
    %dma_start3A_388 = tpu.memref_slice %arg6[%dma_start3A_386, %dma_start3A_387] : memref<104x128xi32, #tpu.memory_space<vmem>> -> memref<1x128xi32, #tpu.memory_space<vmem>>
    %dma_start3A_389 = tpu.memref_squeeze %dma_start3A_388 : memref<1x128xi32, #tpu.memory_space<vmem>> -> memref<128xi32, #tpu.memory_space<vmem>>
    %dma_start3A_390 = arith.constant 0 : i32
    %dma_start3A_391 = tpu.memref_slice %arg3[%dma_start3A_390] : memref<425984000xi32, #tpu.memory_space<hbm>> -> memref<425984000xi32, #tpu.memory_space<hbm>>
    tpu.enqueue_indirect_dma source(%arg7 : memref<128xi32, #tpu.memory_space<vmem>>) target(%dma_start3A_391 : memref<425984000xi32, #tpu.memory_space<hbm>>) offsets(%dma_start3A_389 : memref<128xi32, #tpu.memory_space<vmem>>) semaphore(%arg10 : memref<!tpu.dma_semaphore, #tpu.memory_space<semaphore_mem>>)
    %dma_start3A_392 = arith.constant 2 : i32
    %dma_start3A_393 = arith.constant 0 : i32
    %dma_start3A_394 = tpu.memref_slice %arg6[%dma_start3A_392, %dma_start3A_393] : memref<104x128xi32, #tpu.memory_space<vmem>> -> memref<1x128xi32, #tpu.memory_space<vmem>>
    %dma_start3A_395 = tpu.memref_squeeze %dma_start3A_394 : memref<1x128xi32, #tpu.memory_space<vmem>> -> memref<128xi32, #tpu.memory_space<vmem>>
    %dma_start3A_396 = arith.constant 0 : i32
    %dma_start3A_397 = tpu.memref_slice %arg3[%dma_start3A_396] : memref<425984000xi32, #tpu.memory_space<hbm>> -> memref<425984000xi32, #tpu.memory_space<hbm>>
    tpu.enqueue_indirect_dma source(%arg7 : memref<128xi32, #tpu.memory_space<vmem>>) target(%dma_start3A_397 : memref<425984000xi32, #tpu.memory_space<hbm>>) offsets(%dma_start3A_395 : memref<128xi32, #tpu.memory_space<vmem>>) semaphore(%arg10 : memref<!tpu.dma_semaphore, #tpu.memory_space<semaphore_mem>>)
    %dma_start3A_398 = arith.constant 3 : i32
    %dma_start3A_399 = arith.constant 0 : i32
    %dma_start3A_400 = tpu.memref_slice %arg6[%dma_start3A_398, %dma_start3A_399] : memref<104x128xi32, #tpu.memory_space<vmem>> -> memref<1x128xi32, #tpu.memory_space<vmem>>
    %dma_start3A_401 = tpu.memref_squeeze %dma_start3A_400 : memref<1x128xi32, #tpu.memory_space<vmem>> -> memref<128xi32, #tpu.memory_space<vmem>>
    %dma_start3A_402 = arith.constant 0 : i32
    %dma_start3A_403 = tpu.memref_slice %arg3[%dma_start3A_402] : memref<425984000xi32, #tpu.memory_space<hbm>> -> memref<425984000xi32, #tpu.memory_space<hbm>>
    tpu.enqueue_indirect_dma source(%arg7 : memref<128xi32, #tpu.memory_space<vmem>>) target(%dma_start3A_403 : memref<425984000xi32, #tpu.memory_space<hbm>>) offsets(%dma_start3A_401 : memref<128xi32, #tpu.memory_space<vmem>>) semaphore(%arg10 : memref<!tpu.dma_semaphore, #tpu.memory_space<semaphore_mem>>)
    %dma_start3A_404 = arith.constant 4 : i32
    %dma_start3A_405 = arith.constant 0 : i32
    %dma_start3A_406 = tpu.memref_slice %arg6[%dma_start3A_404, %dma_start3A_405] : memref<104x128xi32, #tpu.memory_space<vmem>> -> memref<1x128xi32, #tpu.memory_space<vmem>>
    %dma_start3A_407 = tpu.memref_squeeze %dma_start3A_406 : memref<1x128xi32, #tpu.memory_space<vmem>> -> memref<128xi32, #tpu.memory_space<vmem>>
    %dma_start3A_408 = arith.constant 0 : i32
    %dma_start3A_409 = tpu.memref_slice %arg3[%dma_start3A_408] : memref<425984000xi32, #tpu.memory_space<hbm>> -> memref<425984000xi32, #tpu.memory_space<hbm>>
    tpu.enqueue_indirect_dma source(%arg7 : memref<128xi32, #tpu.memory_space<vmem>>) target(%dma_start3A_409 : memref<425984000xi32, #tpu.memory_space<hbm>>) offsets(%dma_start3A_407 : memref<128xi32, #tpu.memory_space<vmem>>) semaphore(%arg10 : memref<!tpu.dma_semaphore, #tpu.memory_space<semaphore_mem>>)
    %dma_start3A_410 = arith.constant 5 : i32
    %dma_start3A_411 = arith.constant 0 : i32
    %dma_start3A_412 = tpu.memref_slice %arg6[%dma_start3A_410, %dma_start3A_411] : memref<104x128xi32, #tpu.memory_space<vmem>> -> memref<1x128xi32, #tpu.memory_space<vmem>>
    %dma_start3A_413 = tpu.memref_squeeze %dma_start3A_412 : memref<1x128xi32, #tpu.memory_space<vmem>> -> memref<128xi32, #tpu.memory_space<vmem>>
    %dma_start3A_414 = arith.constant 0 : i32
    %dma_start3A_415 = tpu.memref_slice %arg3[%dma_start3A_414] : memref<425984000xi32, #tpu.memory_space<hbm>> -> memref<425984000xi32, #tpu.memory_space<hbm>>
    tpu.enqueue_indirect_dma source(%arg7 : memref<128xi32, #tpu.memory_space<vmem>>) target(%dma_start3A_415 : memref<425984000xi32, #tpu.memory_space<hbm>>) offsets(%dma_start3A_413 : memref<128xi32, #tpu.memory_space<vmem>>) semaphore(%arg10 : memref<!tpu.dma_semaphore, #tpu.memory_space<semaphore_mem>>)
    %dma_start3A_416 = arith.constant 6 : i32
    %dma_start3A_417 = arith.constant 0 : i32
    %dma_start3A_418 = tpu.memref_slice %arg6[%dma_start3A_416, %dma_start3A_417] : memref<104x128xi32, #tpu.memory_space<vmem>> -> memref<1x128xi32, #tpu.memory_space<vmem>>
    %dma_start3A_419 = tpu.memref_squeeze %dma_start3A_418 : memref<1x128xi32, #tpu.memory_space<vmem>> -> memref<128xi32, #tpu.memory_space<vmem>>
    %dma_start3A_420 = arith.constant 0 : i32
    %dma_start3A_421 = tpu.memref_slice %arg3[%dma_start3A_420] : memref<425984000xi32, #tpu.memory_space<hbm>> -> memref<425984000xi32, #tpu.memory_space<hbm>>
    tpu.enqueue_indirect_dma source(%arg7 : memref<128xi32, #tpu.memory_space<vmem>>) target(%dma_start3A_421 : memref<425984000xi32, #tpu.memory_space<hbm>>) offsets(%dma_start3A_419 : memref<128xi32, #tpu.memory_space<vmem>>) semaphore(%arg10 : memref<!tpu.dma_semaphore, #tpu.memory_space<semaphore_mem>>)
    %dma_start3A_422 = arith.constant 7 : i32
    %dma_start3A_423 = arith.constant 0 : i32
    %dma_start3A_424 = tpu.memref_slice %arg6[%dma_start3A_422, %dma_start3A_423] : memref<104x128xi32, #tpu.memory_space<vmem>> -> memref<1x128xi32, #tpu.memory_space<vmem>>
    %dma_start3A_425 = tpu.memref_squeeze %dma_start3A_424 : memref<1x128xi32, #tpu.memory_space<vmem>> -> memref<128xi32, #tpu.memory_space<vmem>>
    %dma_start3A_426 = arith.constant 0 : i32
    %dma_start3A_427 = tpu.memref_slice %arg3[%dma_start3A_426] : memref<425984000xi32, #tpu.memory_space<hbm>> -> memref<425984000xi32, #tpu.memory_space<hbm>>
    tpu.enqueue_indirect_dma source(%arg7 : memref<128xi32, #tpu.memory_space<vmem>>) target(%dma_start3A_427 : memref<425984000xi32, #tpu.memory_space<hbm>>) offsets(%dma_start3A_425 : memref<128xi32, #tpu.memory_space<vmem>>) semaphore(%arg10 : memref<!tpu.dma_semaphore, #tpu.memory_space<semaphore_mem>>)
    %scan3A_428 = arith.constant 0 : i32
    %scan3A_429 = arith.constant 0 : i32
    %scan3A_430 = arith.constant 104 : i32
    %scan3A_431 = arith.addi %scan3A_429, %scan3A_430 : i32
    %scan3A_432 = arith.constant 1 : i32
    scf.for %scan3A_434 = %scan3A_429 to %scan3A_431 step %scan3A_432  : i32 {
      %add3A_435 = arith.constant 8 : i32
      %add3A_436 = arith.addi %scan3A_434, %add3A_435 : i32
      %lt3A = arith.constant 104 : i32
      %lt3A_437 = arith.cmpi slt, %add3A_436, %lt3A : i32
      %convert_element_type3A = arith.extui %lt3A_437 : i1 to i32
      %cond3A = arith.constant 0 : i32
      %cond3A_438 = arith.cmpi ne, %convert_element_type3A, %cond3A : i32
      scf.if %cond3A_438 {
        %add3A_444 = arith.constant 8 : i32
        %add3A_445 = arith.addi %scan3A_434, %add3A_444 : i32
        %dma_start3A_446 = arith.constant 0 : i32
        %dma_start3A_447 = tpu.memref_slice %arg6[%add3A_445, %dma_start3A_446] : memref<104x128xi32, #tpu.memory_space<vmem>> -> memref<1x128xi32, #tpu.memory_space<vmem>>
        %dma_start3A_448 = tpu.memref_squeeze %dma_start3A_447 : memref<1x128xi32, #tpu.memory_space<vmem>> -> memref<128xi32, #tpu.memory_space<vmem>>
        %dma_start3A_449 = arith.constant 0 : i32
        %dma_start3A_450 = tpu.memref_slice %arg3[%dma_start3A_449] : memref<425984000xi32, #tpu.memory_space<hbm>> -> memref<425984000xi32, #tpu.memory_space<hbm>>
        tpu.enqueue_indirect_dma source(%arg7 : memref<128xi32, #tpu.memory_space<vmem>>) target(%dma_start3A_450 : memref<425984000xi32, #tpu.memory_space<hbm>>) offsets(%dma_start3A_448 : memref<128xi32, #tpu.memory_space<vmem>>) semaphore(%arg10 : memref<!tpu.dma_semaphore, #tpu.memory_space<semaphore_mem>>)
      } else {
      }
      %dma_wait3A_439 = arith.constant 0 : i32
      %dma_wait3A_440 = tpu.memref_slice %arg6[%scan3A_434, %dma_wait3A_439] : memref<104x128xi32, #tpu.memory_space<vmem>> -> memref<1x128xi32, #tpu.memory_space<vmem>>
      %dma_wait3A_441 = tpu.memref_squeeze %dma_wait3A_440 : memref<1x128xi32, #tpu.memory_space<vmem>> -> memref<128xi32, #tpu.memory_space<vmem>>
      %dma_wait3A_442 = arith.constant 0 : i32
      %dma_wait3A_443 = tpu.memref_slice %arg3[%dma_wait3A_442] : memref<425984000xi32, #tpu.memory_space<hbm>> -> memref<425984000xi32, #tpu.memory_space<hbm>>
      tpu.wait_indirect_dma semaphore(%arg10 : memref<!tpu.dma_semaphore, #tpu.memory_space<semaphore_mem>>) src(%arg7 : memref<128xi32, #tpu.memory_space<vmem>>) dst(%dma_wait3A_443 : memref<425984000xi32, #tpu.memory_space<hbm>>)
    }
    %scan3A_433 = arith.constant 104 : i32
    return
  }
}

</mosaic_0001>

<sc_bundles>
// kernel: _onehot.3.cloned.1.call-start
scs
__scs_entry_jumppad:
0x0: {  	(pc) =	sbr.rel $0x88, $3  }
0x1: {  	(tag) =	ssettag $0x0;
	lr =	simm.s32 $0x1  }
0x2: {  	[smem:$0x3FA0] =	sst lr;
	_ =	strace $0xD0000000  }
0x3: {  	_ = 	snop  }
0x4: {  	_ = 	snop  }
0x5: {  	_ = 	snop  }
0x6: {  	_ = 	snop  }
0x7: {  	_ = 	snop  }
__scs_overlays_trampoline_lowered:
0x8: {  	[smem:$0x3FAF] =	sst s0  }
0x9: {  	[smem:$0x3FB0] =	sst s1  }
0xa: {  	[smem:$0x3FB1] =	sst s2  }
0xb: {  	[smem:$0x3FB2] =	sst s3  }
0xc: {  	[smem:$0x3FB3] =	sst s4  }
0xd: {  	[smem:$0x3FB4] =	sst s5  }
0xe: {  	[smem:$0x3FB5] =	sst s6  }
0xf: {  	[smem:$0x3FB6] =	sst s7  }
0x10: {  	[smem:$0x3FB7] =	sst s8  }
0x11: {  	[smem:$0x3FB8] =	sst s9;
	s0 =	simm.s32 @!p0 $0x0  }
0x12: {  	s1 =	sld [smem:$0x3F9E];
	s0 =	simm.s32 @p0 $0x1  }
0x13: {  	[smem:$0x3FB9] =	sst s0;
	s0 =	simm.s32 @!p1 $0x0  }
0x14: {  	s2 =	sld [smem:$0x3F9D];
	s0 =	simm.s32 @p1 $0x1  }
0x15: {  	[smem:$0x3FBA] =	sst s0;
	s0 =	simm.s32 @!p2 $0x0  }
0x16: {  	s3 =	sld [smem:$0x3FDB];
	s0 =	simm.s32 @p2 $0x1  }
0x17: {  	s4 =	simm.s32 $0x1BF5;
	[smem:$0x3FBC] =	sst s0  }
0x18: {  	s0 =	sld [smem:$0x3F9F];
	_ =	swait.ge [sflag:s4], $0x0  }
0x19: {  	s7 =	sld [smem:$0x3FA0]  }
0x1a: {  	s8 =	sadd.s32 $0xFFFFE003, lr  }
0x1b: {  	s9 =	sadd.s32 $0xFFFFFEF7, lr;
	s5 =	simm.s32 $0xFFFFFFFF;
	p2 =	slt.u32 s8, $0xFFFFF086  }
0x1c: {  	p1 =	slt.u32 s9, $0xF7A;
	s5 =	simm.s32 @!p2 $0x0  }
0x1d: {  	s5 =	simm.s32 @p1 $0x1;
	p0 =	seq.s32 s7, s2  }
0x1e: {  	s7 =	smul.u32 @!p0 $0xF7A, s2;
	p2 =	seq.s32 @!p0 s5, $0x0  }
0x1f: {  	s9 =	smul.u32 $0xF7A, s1;
	s8 =	simm.s32 @!p0 $0x1BF5;
	p2 =	por !p2, p0  }
0x20: {  	[sflag:s8] =	ssyncset.s32 @!p0 $0xFFFFF086;
	s6 =	sadd.s32 @!p0 s3, s7;
	s7 =	simm.s32 @!p0 $0x108  }
0x21: {  	s3 =	sadd.s32 s3, s9;
	s6 =	sadd.s32 @!p0 $0x88, s6;
	s7 =	simm.s32 @p2 $0x1082  }
0x22: {  	[simem:s7], [sflag:s8] =	dma.local @!p0 [hbm:s6], $0xF7A  }
0x23: {  	s9 =	sor.u32 $0xD0000000, s2;
	s6 =	simm.s32 $0x108;
	_ =	swait.ge @!p0 [sflag:s8], $0x0  }
0x24: {  	s3 =	sadd.s32 $0x88, s3;
	s6 =	simm.s32 @!p1 $0x1082;
	[sflag:s4] =	ssyncset.s32 $0xFFFFF086  }
0x25: {  	[simem:s6], [sflag:s4] =	dma.local [hbm:s3], $0xF7A  }
0x26: {  	[smem:$0x3FA0] =	sst s1;
	(tag) =	ssettag s2;
	_ =	strace s9  }
0x27: {  	s1 =	sld [smem:$0x3FB0]  }
0x28: {  	s2 =	sld [smem:$0x3FB1]  }
0x29: {  	s4 =	sld [smem:$0x3FB3]  }
0x2a: {  	p0 =	seq.s32 s5, $0x0;
	s5 =	sld [smem:$0x3FB4]  }
0x2b: {  	s6 =	sld [smem:$0x3FB5]  }
0x2c: {  	s7 =	sld [smem:$0x3FB6]  }
0x2d: {  	s3 =	simm.s32 $0x108;
	s8 =	sld [smem:$0x3FB7]  }
0x2e: {  	s3 =	simm.s32 @!p0 $0x1082;
	s9 =	sld [smem:$0x3FB8]  }
0x2f: {  	lr =	sadd.s32 s0, s3;
	s0 =	sld [smem:$0x3FAF]  }
0x30: {  	s3 =	sld [smem:$0x3FB2]  }
0x31: {  	[smem:$0x3FBB] =	sst s10  }
0x32: {  	s10 =	sld [smem:$0x3FB9];
	_ =	sdelay $0x3  }
0x33: {  	p0 =	seq.s32 s10, $0x1;
	s10 =	sld [smem:$0x3FBB];
	_ =	sdelay $0x3  }
0x34: {  	[smem:$0x3FBB] =	sst s10  }
0x35: {  	s10 =	sld [smem:$0x3FBA];
	_ =	sdelay $0x3  }
0x36: {  	p1 =	seq.s32 s10, $0x1;
	s10 =	sld [smem:$0x3FBB];
	_ =	sdelay $0x3  }
0x37: {  	[smem:$0x3FBB] =	sst s10  }
0x38: {  	s10 =	sld [smem:$0x3FBC]  }
0x39: {  	_ = 	snop;
	(pc) =	sbr.ind lr, $3  }
0x3a: {  	_ = 	snop  }
0x3b: {  	_ = 	snop  }
0x3c: {  	p2 =	seq.s32 s10, $0x1;
	s10 =	sld [smem:$0x3FBB]  }
0x3d: {  	_ =	shalt  }
0x3e: {  	_ =	shalt  }
0x3f: {  	_ =	shalt  }
0x40: {  	_ =	shalt  }
0x41: {  	_ =	shalt  }
0x42: {  	_ =	shalt  }
0x43: {  	_ =	shalt  }
0x44: {  	_ =	shalt  }
0x45: {  	_ =	shalt  }
0x46: {  	_ =	shalt  }
0x47: {  	_ =	shalt  }
0x48: {  	_ =	shalt  }
0x49: {  	_ =	shalt  }
0x4a: {  	_ =	shalt  }
0x4b: {  	_ =	shalt  }
0x4c: {  	_ =	shalt  }
0x4d: {  	_ =	shalt  }
0x4e: {  	_ =	shalt  }
0x4f: {  	_ =	shalt  }
0x50: {  	_ =	shalt  }
0x51: {  	_ =	shalt  }
0x52: {  	_ =	shalt  }
0x53: {  	_ =	shalt  }
0x54: {  	_ =	shalt  }
0x55: {  	_ =	shalt  }
0x56: {  	_ =	shalt  }
0x57: {  	_ =	shalt  }
0x58: {  	_ =	shalt  }
0x59: {  	_ =	shalt  }
0x5a: {  	_ =	shalt  }
0x5b: {  	_ =	shalt  }
0x5c: {  	_ =	shalt  }
0x5d: {  	_ =	shalt  }
0x5e: {  	_ =	shalt  }
0x5f: {  	_ =	shalt  }
0x60: {  	_ =	shalt  }
0x61: {  	_ =	shalt  }
0x62: {  	_ =	shalt  }
0x63: {  	_ =	shalt  }
0x64: {  	_ =	shalt  }
0x65: {  	_ =	shalt  }
0x66: {  	_ =	shalt  }
0x67: {  	_ =	shalt  }
0x68: {  	_ =	shalt  }
0x69: {  	_ =	shalt  }
0x6a: {  	_ =	shalt  }
0x6b: {  	_ =	shalt  }
0x6c: {  	_ =	shalt  }
0x6d: {  	_ =	shalt  }
0x6e: {  	_ =	shalt  }
0x6f: {  	_ =	shalt  }
0x70: {  	_ =	shalt  }
0x71: {  	_ =	shalt  }
0x72: {  	_ =	shalt  }
0x73: {  	_ =	shalt  }
0x74: {  	_ =	shalt  }
0x75: {  	_ =	shalt  }
0x76: {  	_ =	shalt  }
0x77: {  	_ =	shalt  }
0x78: {  	_ =	shalt  }
0x79: {  	_ =	shalt  }
0x7a: {  	_ =	shalt  }
0x7b: {  	_ =	shalt  }
0x7c: {  	_ =	shalt  }
0x7d: {  	_ =	shalt  }
0x7e: {  	_ =	shalt  }
0x7f: {  	_ =	shalt  }
0x80: {  	_ =	shalt  }
0x81: {  	_ =	shalt  }
0x82: {  	_ =	shalt  }
0x83: {  	_ =	shalt  }
0x84: {  	_ =	shalt  }
0x85: {  	_ =	shalt  }
0x86: {  	_ =	shalt  }
0x87: {  	_ =	shalt  }
.Lfunc_end0:
.L_simem_size_0:
called_computation_lowered:
.L_overlay_start_0:
0x88: {  	s2 =	sld [smem:$0x3FD9]  }
0x89: {  	s3 =	sld [smem:$0x3FFE];
	_ =	sdelay $0x1  }
0x8a: {  	s1 =	srdreg.scid  }
0x8b: {  	s0 =	sand.u32 $0x1, s1  }
0x8c: {  	s18 =	sshll.u32 s0, $0xA;
	s2 =	sadd.s32 s3, s2  }
0x8d: {  	s2 =	sadd.s32 s2, s18  }
0x8e: {  	[smem:$0x3FC7] =	sst s2  }
0x8f: {  	_ = 	snop  }
0x90: {  	s2 =	sld [smem:$0x3FC9]  }
0x91: {  	s19 =	sld [smem:$0x3FD0];
	(tm) =	ssettm $0x1  }
0x92: {  	s4 =	sld [smem:$0x3FFB];
	_ =	sdelay $0x3  }
0x93: {  	_ =	strace s4  }
0x94: {  	s4 =	sld [smem:$0x3FFC];
	_ =	sdelay $0x3  }
0x95: {  	_ =	strace s4  }
0x96: {  	s4 =	sld [smem:$0x3FFD];
	_ =	sdelay $0x3  }
0x97: {  	_ =	strace s4  }
0x98: {  	_ =	strace $0x8FFFFFFF  }
0x99: {  	s20 =	sld [smem:$0x3FDB];
	_ =	sdelay $0x1  }
0x9a: {  	s5 =	simm.s32 $_scs_section_size  }
0x9b: {  	s6 =	simm.s32 $_size__tile_overlayer_lowered;
	s7 =	simm.s32 $_tile_overlayer_lowered  }
0x9c: {  	s23 =	simm.s32 $0x1BFF;
	s22 =	sshll.u32 s7, $0x1;
	s4 =	sadd.s32 s5, s20  }
0x9d: {  	s8 =	simm.s32 $0x0;
	s21 =	sshll.u32 s6, $0x1;
	s6 =	sadd.s32 s22, s4  }
0x9e: {  	[timem:s8], [sflag:s23] =	dma.local [hbm:s6], s21  }
0x9f: {  	_ =	swait.ge [sflag:s23], s21  }
0xa0: {  	s5 =	ssub.s32 $0x0, s21;
	[sflag:s23] =	ssyncset.done $0x0  }
0xa1: {  	[sflag:s23] =	ssyncadd.s32 s5;
	_ =	sdelay $0x1  }
0xa2: {  	s24 =	simm.s32 $0x1B8B  }
0xa3: {  	_ =	swait.ge [sflag:s24], $0x1  }
0xa4: {  	[sflag:s24] =	ssyncset.done $0x0  }
0xa5: {  	s25 =	simm.s32 $0x1B8E;
	[sflag:s24] =	ssyncadd.s32 $0xFFFFFFFF  }
0xa6: {  	s26 =	simm.s32 $execute0_lowered;
	[smem:$0x3FD2] =	sst s25  }
0xa7: {  	s5 =	sshll.u32 s26, $0x1;
	_ =	strace $0x80000046;
	[dreg:$0x1] =	wrdreg $0xFFFFFFFF  }
0xa8: {  	s28 =	simm.s32 $_size_execute0_lowered;
	s4 =	sadd.s32 s4, s5;
	[dreg:$0x0] =	wrdreg $0x0  }
0xa9: {  	s5 =	sshll.u32 s28, $0x1;
	[dreg:$0x2] =	wrdreg s4  }
0xaa: {  	[dreg:$0x3] =	wrdreg s5  }
0xab: {  	[dreg:$0x4] =	wrdreg $0xC0  }
0xac: {  	_ =	task [dreg:s8], $0x5FFFF  }
0xad: {  	[dreg:$0x1] =	wrdreg $0xFFFFFFFF  }
0xae: {  	[dreg:$0x0] =	wrdreg $0x60  }
0xaf: {  	[dreg:$0x2] =	wrdreg s2  }
0xb0: {  	[dreg:$0x3] =	wrdreg s19  }
0xb1: {  	[dreg:$0x4] =	wrdreg $0x9  }
0xb2: {  	_ =	task.clear_ibuf [dreg:s8], $0x5FFFF;
	_ =	strace $0x90000046  }
0xb3: {  	s29 =	simm.s32 $0x9;
	_ =	strace $0x80000048  }
0xb4: {  	_ =	swait.ge [sflag:s29], $0x1  }
0xb5: {  	[sflag:s29] =	ssyncadd.s32 $0xFFFFFFFF  }
0xb6: {  	_ =	strace $0x90000048  }
0xb7: {  	_ =	sfence  }
0xb8: {  	s30 =	sld [smem:$0x0];
	_ =	sdelay $0x2  }
0xb9: {  	s31 =	sshll.u32 s1, $0xD;
	s1 =	sshrl.u32 s1, $0x2  }
0xba: {  	s3 =	sand.u32 $0x4000, s31;
	s1 =	sadd.s32 s1, s30  }
0xbb: {  	s0 =	sor.u32 s3, s0;
	s1 =	sshll.u32 s1, $0x11  }
0xbc: {  	s0 =	sor.u32 s1, s0  }
0xbd: {  	s0 =	sadd.s32 $0x8F2B, s0  }
0xbe: {  	[sflag:s0] =	ssyncadd.remote.s32 $0x1  }
0xbf: {  	_ =	sfence.sel $0xFFFF  }
0xc0: {  	[dreg:$0x0] =	wrdreg $0xFFFFFFFF;
	(pc) =	sbr.abs _section_cstart, $3  }
0xc1: {  	[dreg:$0x1] =	wrdreg $0xFFFFFFFF  }
0xc2: {  	_ =	task.clear_ibuf [dreg:s8], $0x2FFFF;
	_ =	strace $0x9FFFFFFF  }
0xc3: {  	(tm) =	ssettm $0x7FFFFFFF  }
tec
execute0_lowered:
.L_overlay_start_1:
0x0: {  	(tag) =	ssettag $0x1  }
0x1: {  	s0 =	rddreg [dreg:$0x0]  }
0x2: {  	s1 =	rddreg [dreg:$0x1]  }
0x3: {  	s2 =	simm.s32 $0x0;
	s3 =	srdreg.scid;
	s12 =	stileid.u32  }
0x4: {  	s31 =	simm.s32 $0x1;
	s30 =	simm.s32 $0x1FE80;
	s3 =	sand.u32 $0x1, s3  }
0x5: {  	[smem:$0x7FF] =	sst s2;
	s4 =	sshll.u32 s12, $0xA;
	s7 =	sshll.u32 s3, $0x4  }
0x6: {  	s5 =	smul.u32 $0x34000, s3;
	s6 =	ssub.s32 $0x2, s3;
	s7 =	sor.u32 s12, s7  }
0x7: {  	_ =	strace $0x80000047;
	s8 =	sshrl.u32 s6, $0x1;
	s7 =	smul.u32 $0xCB2000, s7  }
0x8: {  	s9 =	sor.u32 s4, s5;
	s6 =	ssub.s32 s6, s8;
	s5 =	smul.u32 $0xD, s3  }
0x9: {  	s3 =	smul.u32 $0xCB20000, s3;
	s19 =	sshrl.u32 s9, $0x3;
	s20 =	sadd.s32 $0x4000, s9  }
0xa: {  	s10 =	sadd.s32 $0x8000, s9;
	s11 =	sadd.s32 $0xC000, s9;
	s24 =	sadd.s32 $0x10000, s9  }
0xb: {  	s25 =	sadd.s32 $0x14000, s9;
	s26 =	sadd.s32 $0x18000, s9;
	s16 =	sadd.s32 $0x1C000, s9  }
0xc: {  	s17 =	sadd.s32 $0x20000, s9;
	s18 =	sadd.s32 $0x24000, s9;
	s8 =	sadd.s32 s0, s19  }
0xd: {  	s21 =	sshrl.u32 s10, $0x3;
	s22 =	sshrl.u32 s11, $0x3;
	s13 =	sshrl.u32 s25, $0x3  }
0xe: {  	s14 =	sshrl.u32 s26, $0x3;
	s19 =	sshrl.u32 s17, $0x3;
	s25 =	sadd.s32 $0x30000, s9  }
0xf: {  	s7 =	sshrl.u32 s7, $0x3;
	[dreg:$0x3] =	wrdreg s8;
	s8 =	sshrl.u32 s20, $0x3  }
0x10: {  	s23 =	sadd.s32 s0, s22;
	s15 =	sadd.s32 s0, s14;
	s20 =	sshrl.u32 s18, $0x3  }
0x11: {  	s14 =	sadd.s32 s0, s19;
	s22 =	sadd.s32 $0x2C000, s9;
	s18 =	sadd.s32 s1, s7  }
0x12: {  	s7 =	simm.s32 $0x0;
	s8 =	sadd.s32 s0, s8;
	[dreg:$0x6] =	wrdreg s23  }
0x13: {  	[dreg:$0x9] =	wrdreg s15;
	s15 =	sadd.s32 s0, s20;
	s23 =	sshrl.u32 s22, $0x3  }
0x14: {  	s20 =	sadd.s32 $0x32C8, s18;
	s22 =	sadd.s32 $0x9858, s18;
	s28 =	sadd.s32 $0x130B0, s18  }
0x15: {  	s29 =	sadd.s32 $0x16378, s18;
	[dreg:$0x4] =	wrdreg s8;
	s8 =	sadd.s32 s0, s21  }
0x16: {  	s21 =	sadd.s32 $0x28000, s9;
	[dreg:$0x5] =	wrdreg s8;
	s8 =	sshrl.u32 s24, $0x3  }
0x17: {  	s17 =	sadd.s32 s0, s23;
	s24 =	smul.u32 $0xCB2000, s12;
	s8 =	sadd.s32 s0, s8  }
0x18: {  	s23 =	sadd.s32 $0xCB20, s18;
	[dreg:$0x7] =	wrdreg s8;
	s8 =	sadd.s32 s0, s13  }
0x19: {  	s3 =	sadd.s32 s24, s3;
	[dreg:$0x8] =	wrdreg s8;
	s8 =	sshrl.u32 s16, $0x3  }
0x1a: {  	s24 =	smax.u32 s6, $0x1;
	s6 =	simm.s32 $0x3;
	s8 =	sadd.s32 s0, s8  }
0x1b: {  	s26 =	sadd.s32 $0xCB200, s3;
	[dreg:$0xa] =	wrdreg s8;
	s8 =	sshrl.u32 s21, $0x3  }
0x1c: {  	s3 =	simm.s32 $0x80;
	s16 =	sadd.s32 s0, s8;
	s8 =	sshrl.u32 s25, $0x3  }
0x1d: {  	s21 =	sadd.s32 $0x6590, s18;
	s19 =	sadd.s32 s0, s8;
	s0 =	sshrl.u32 s26, $0x3  }
0x1e: {  	v0 =	vimm.s32 $0x0;
	v1 =	vimm.s32 $0x1;
	v2 =	vlaneseq.u32;
	s26 =	sadd.s32 $0xFDE8, s18;
	s25 =	sadd.s32 s0, s1;
	s0 =	simm.s32 $0x2  }
.LBB2_1:
0x1f: {  	s8 =	simm.s32 $0x40;
	s9 =	simm.s32 $0x0  }
.LBB2_2:
0x20: {  	p0 =	sne.s32 s8, $0x658C0;
	[tilespmem:s9+$0x0] =	vst v0;
	s9 =	smov.u32 s8;
	s8 =	sadd.s32 $0x40, s8  }
.Ltmp0:
0x21: {  	(pc) =	sbr.rel @p0 .LBB2_2-.Ltmp0, $2  }
0x22: {  	_ =	sdelay $0x2  }
0x23: {  	s9 =	sshra.s32 s9, $0x2  }
0x24: {  	[tilespmem:s9+$0x0] =	vst v0  }
0x25: {  	[tilespmem:$0x1FE80] =	vst v1  }
0x26: {  	[tilespmem:$0x1FE90] =	vst v1  }
0x27: {  	[tilespmem:$0x1FEA0] =	vst v1  }
0x28: {  	[tilespmem:$0x1FEB0] =	vst v1  }
0x29: {  	[tilespmem:$0x1FEC0] =	vst v1  }
0x2a: {  	[tilespmem:$0x1FED0] =	vst v1  }
0x2b: {  	[tilespmem:$0x1FEE0] =	vst v1  }
0x2c: {  	s8 =	simm.s32 $0x0;
	s13 =	rddreg [dreg:$0x3];
	s10 =	simm.s32 $0x19680;
	[tilespmem:$0x1FEF0] =	vst v1  }
0x2d: {  	[tilespmem:s10], [sflag:$0x2] =	stream.linear.gather [hbm4b:s13+s8], $0x400, $0x38;
	[tilespmem:$0x1FF00] =	vst v63  }
0x2e: {  	s11 =	simm.s32 $0x19A80;
	s10 =	rddreg [dreg:$0x4]  }
0x2f: {  	[tilespmem:s11], [sflag:$0x2] =	stream.linear.gather [hbm4b:s10+s8], $0x400, $0x38;
	[tilespmem:$0x1FF00] =	vst v63  }
0x30: {  	s12 =	rddreg [dreg:$0x5];
	s13 =	simm.s32 $0x19E80  }
0x31: {  	[tilespmem:s13], [sflag:$0x2] =	stream.linear.gather [hbm4b:s12+s8], $0x400, $0x38;
	[tilespmem:$0x1FF00] =	vst v63  }
0x32: {  	s10 =	rddreg [dreg:$0x6];
	s11 =	simm.s32 $0x1A280  }
0x33: {  	[tilespmem:s11], [sflag:$0x2] =	stream.linear.gather [hbm4b:s10+s8], $0x400, $0x38;
	[tilespmem:$0x1FF00] =	vst v63  }
0x34: {  	s12 =	rddreg [dreg:$0x7];
	s13 =	simm.s32 $0x1A680  }
0x35: {  	[tilespmem:s13], [sflag:$0x2] =	stream.linear.gather [hbm4b:s12+s8], $0x400, $0x38;
	[tilespmem:$0x1FF00] =	vst v63  }
0x36: {  	s10 =	rddreg [dreg:$0x8];
	s11 =	simm.s32 $0x1AA80  }
0x37: {  	[tilespmem:s11], [sflag:$0x2] =	stream.linear.gather [hbm4b:s10+s8], $0x400, $0x38;
	[tilespmem:$0x1FF00] =	vst v63  }
0x38: {  	s12 =	rddreg [dreg:$0x9];
	s13 =	simm.s32 $0x1AE80  }
0x39: {  	[tilespmem:s13], [sflag:$0x2] =	stream.linear.gather [hbm4b:s12+s8], $0x400, $0x38;
	[tilespmem:$0x1FF00] =	vst v63  }
0x3a: {  	s10 =	rddreg [dreg:$0xa];
	s11 =	simm.s32 $0x1B280  }
0x3b: {  	[tilespmem:s11], [sflag:$0x2] =	stream.linear.gather [hbm4b:s10+s8], $0x400, $0x38;
	[tilespmem:$0x1FF00] =	vst v63  }
0x3c: {  	s12 =	simm.s32 $0x1B680  }
0x3d: {  	[tilespmem:s12], [sflag:$0x2] =	stream.linear.gather [hbm4b:s14+s8], $0x400, $0x38;
	[tilespmem:$0x1FF00] =	vst v63  }
0x3e: {  	s13 =	simm.s32 $0x1BA80  }
0x3f: {  	[tilespmem:s13], [sflag:$0x2] =	stream.linear.gather [hbm4b:s15+s8], $0x400, $0x38;
	[tilespmem:$0x1FF00] =	vst v63  }
0x40: {  	s10 =	simm.s32 $0x1BE80  }
0x41: {  	[tilespmem:s10], [sflag:$0x2] =	stream.linear.gather [hbm4b:s16+s8], $0x400, $0x38;
	[tilespmem:$0x1FF00] =	vst v63  }
0x42: {  	s11 =	simm.s32 $0x1C280  }
0x43: {  	[tilespmem:s11], [sflag:$0x2] =	stream.linear.gather [hbm4b:s17+s8], $0x400, $0x38;
	[tilespmem:$0x1FF00] =	vst v63  }
0x44: {  	s12 =	simm.s32 $0x1C680  }
0x45: {  	[tilespmem:s12], [sflag:$0x2] =	stream.linear.gather [hbm4b:s19+s8], $0x400, $0x38;
	[tilespmem:$0x1FF00] =	vst v63  }
0x46: {  	_ = 	snop  }
0x47: {  	[hbm4b:s18+s8] =	stream.linear.scatter [tilespmem:s8], [sflag:$0x1], $0x19640, $0x38;
	[tilespmem:$0x1FF00] =	vst v63  }
0x48: {  	_ = 	snop  }
0x49: {  	[hbm4b:s20+s8] =	stream.linear.scatter [tilespmem:s8], [sflag:$0x1], $0x19640, $0x38;
	[tilespmem:$0x1FF00] =	vst v63  }
0x4a: {  	_ = 	snop  }
0x4b: {  	[hbm4b:s21+s8] =	stream.linear.scatter [tilespmem:s8], [sflag:$0x1], $0x19640, $0x38;
	[tilespmem:$0x1FF00] =	vst v63  }
0x4c: {  	_ = 	snop  }
0x4d: {  	[hbm4b:s22+s8] =	stream.linear.scatter [tilespmem:s8], [sflag:$0x1], $0x19640, $0x38;
	[tilespmem:$0x1FF00] =	vst v63  }
0x4e: {  	_ = 	snop  }
0x4f: {  	[hbm4b:s23+s8] =	stream.linear.scatter [tilespmem:s8], [sflag:$0x1], $0x19640, $0x38;
	[tilespmem:$0x1FF00] =	vst v63  }
0x50: {  	_ = 	snop  }
0x51: {  	[hbm4b:s26+s8] =	stream.linear.scatter [tilespmem:s8], [sflag:$0x1], $0x19640, $0x38;
	[tilespmem:$0x1FF00] =	vst v63  }
0x52: {  	_ = 	snop  }
0x53: {  	[hbm4b:s28+s8] =	stream.linear.scatter [tilespmem:s8], [sflag:$0x1], $0x19640, $0x38;
	[tilespmem:$0x1FF00] =	vst v63  }
0x54: {  	_ = 	snop  }
0x55: {  	[hbm4b:s29+s8] =	stream.linear.scatter [tilespmem:s8], [sflag:$0x1], $0x19640, $0x38;
	[tilespmem:$0x1FF00] =	vst v63  }
0x56: {  	s13 =	sadd.s32 $0x0, s25  }
0x57: {  	[hbm4b:s13+s2] =	stream.linear.scatter [tilespmem:s2], [sflag:$0x1], $0x19640, $0x38;
	[tilespmem:$0x1FF00] =	vst v63  }
0x58: {  	_ =	swait.ge [sflag:s31], $0x19640  }
0x59: {  	s8 =	simm.s32 $0x32C8;
	[sflag:s31] =	ssyncset.done $0x0  }
.LBB2_4:
0x5a: {  	s9 =	sadd.s32 s8, s25;
	[sflag:s31] =	ssyncadd.s32 $0xFFFE69C0;
	p0 =	sne.s32 s8, $0x179AF8  }
0x5b: {  	[hbm4b:s9+s2] =	stream.linear.scatter [tilespmem:s2], [sflag:$0x1], $0x19640, $0x38;
	[tilespmem:$0x1FF00] =	vst v63  }
.Ltmp1:
0x5c: {  	_ = 	snop;
	(pc) =	sbr.rel @p0 .LBB2_4-.Ltmp1, $4  }
0x5d: {  	_ = 	snop  }
0x5e: {  	s8 =	sadd.s32 $0x32C8, s8  }
0x5f: {  	_ =	swait.ge [sflag:s31], $0x19640  }
0x60: {  	[sflag:s31] =	ssyncset.done $0x0  }
0x61: {  	[sflag:s31] =	ssyncadd.s32 $0xFFFE69C0  }
0x62: {  	_ =	swait.ge [sflag:s0], $0x400  }
0x63: {  	[sflag:s0] =	ssyncset.done $0x0  }
0x64: {  	[sflag:s0] =	ssyncadd.s32 $0xFFFFFC00  }
0x65: {  	_ =	swait.ge [sflag:s0], $0x400  }
0x66: {  	[sflag:s0] =	ssyncset.done $0x0  }
0x67: {  	[sflag:s0] =	ssyncadd.s32 $0xFFFFFC00  }
0x68: {  	_ =	swait.ge [sflag:s0], $0x400  }
0x69: {  	[sflag:s0] =	ssyncset.done $0x0  }
0x6a: {  	[sflag:s0] =	ssyncadd.s32 $0xFFFFFC00  }
0x6b: {  	_ =	swait.ge [sflag:s0], $0x400  }
0x6c: {  	[sflag:s0] =	ssyncset.done $0x0  }
0x6d: {  	[sflag:s0] =	ssyncadd.s32 $0xFFFFFC00  }
0x6e: {  	_ =	swait.ge [sflag:s0], $0x400  }
0x6f: {  	[sflag:s0] =	ssyncset.done $0x0  }
0x70: {  	[sflag:s0] =	ssyncadd.s32 $0xFFFFFC00  }
0x71: {  	_ =	swait.ge [sflag:s0], $0x400  }
0x72: {  	[sflag:s0] =	ssyncset.done $0x0  }
0x73: {  	[sflag:s0] =	ssyncadd.s32 $0xFFFFFC00  }
0x74: {  	_ =	swait.ge [sflag:s0], $0x400  }
0x75: {  	[sflag:s0] =	ssyncset.done $0x0  }
0x76: {  	[sflag:s0] =	ssyncadd.s32 $0xFFFFFC00  }
0x77: {  	_ =	swait.ge [sflag:s0], $0x400  }
0x78: {  	[sflag:s0] =	ssyncset.done $0x0  }
0x79: {  	[sflag:s0] =	ssyncadd.s32 $0xFFFFFC00  }
0x7a: {  	_ =	swait.ge [sflag:s0], $0x400  }
0x7b: {  	[sflag:s0] =	ssyncset.done $0x0  }
0x7c: {  	[sflag:s0] =	ssyncadd.s32 $0xFFFFFC00  }
0x7d: {  	_ =	swait.ge [sflag:s0], $0x400  }
0x7e: {  	[sflag:s0] =	ssyncset.done $0x0  }
0x7f: {  	[sflag:s0] =	ssyncadd.s32 $0xFFFFFC00  }
0x80: {  	_ =	swait.ge [sflag:s0], $0x400  }
0x81: {  	[sflag:s0] =	ssyncset.done $0x0  }
0x82: {  	[sflag:s0] =	ssyncadd.s32 $0xFFFFFC00  }
0x83: {  	_ =	swait.ge [sflag:s0], $0x400  }
0x84: {  	[sflag:s0] =	ssyncset.done $0x0  }
0x85: {  	[sflag:s0] =	ssyncadd.s32 $0xFFFFFC00  }
0x86: {  	_ =	swait.ge [sflag:s0], $0x400  }
0x87: {  	[sflag:s0] =	ssyncset.done $0x0  }
0x88: {  	s8 =	simm.s32 $0x19680;
	[sflag:s0] =	ssyncadd.s32 $0xFFFFFC00  }
0x89: {  	v3 =	vld [tilespmem:s8+$0x0];
	_ =	sdelay $0x1  }
0x8a: {  	s8 =	simm.s32 $0x0  }
0x8b: {  	s9 =	sand.u32 $0x3F0, s8  }
0x8c: {  	s10 =	sadd.s32 $0x0, s5;
	s9 =	sor.u32 s4, s9  }
0x8d: {  	s10 =	smul.u32 $0xFA0000, s10;
	v4 =	vmov s9;
	v5 =	vshll.u32 v3, $0xE  }
0x8e: {  	v4 =	vshll.u32 v4, $0x3;
	v5 =	vand.u32 $0xFFFE0000, v5  }
0x8f: {  	v4 =	vand.u32 $0x1FC00, v4;
	v3 =	vshll.u32 v3, $0x7;
	v5 =	vadd.s32 s10, v5  }
0x90: {  	v6 =	vor.u32 s9, v2;
	v3 =	vand.u32 $0x380, v3;
	v4 =	vor.u32 v4, v5  }
0x91: {  	v3 =	vor.u32 v3, v4;
	v4 =	vand.u32 $0x7F, v6  }
0x92: {  	s13 =	sand.u32 $0x3FF0, s8;
	v3 =	vor.u32 v4, v3  }
0x93: {  	s9 =	simm.s32 $0x19690;
	[tilespmem:s13+$0x1CA80] =	vst v3  }
0x94: {  	s11 =	simm.s32 $0x2;
	s10 =	simm.s32 $0x1;
	v3 =	vld [tilespmem:s9+$0x0]  }
.LBB2_6:
0x95: {  	p0 =	sne.s32 s11, $0x33F  }
0x96: {  	s8 =	sadd.s32 $0x10, s8  }
0x97: {  	s12 =	sshrl.u32 s10, $0x6;
	s10 =	smov.u32 s11;
	s13 =	sand.u32 $0x3F0, s8  }
0x98: {  	s12 =	sadd.s32 s5, s12;
	s13 =	sor.u32 s4, s13  }
0x99: {  	s12 =	smul.u32 $0xFA0000, s12;
	v4 =	vmov s13;
	v5 =	vshll.u32 v3, $0xE  }
0x9a: {  	v4 =	vshll.u32 v4, $0x3;
	v5 =	vand.u32 $0xFFFE0000, v5  }
0x9b: {  	v3 =	vshll.u32 v3, $0x7;
	v4 =	vand.u32 $0x1FC00, v4;
	v5 =	vadd.s32 s12, v5  }
.Ltmp2:
0x9c: {  	v6 =	vor.u32 s13, v2;
	v3 =	vand.u32 $0x380, v3;
	v4 =	vor.u32 v4, v5;
	(pc) =	sbr.rel @p0 .LBB2_6-.Ltmp2, $4  }
0x9d: {  	v3 =	vor.u32 v3, v4;
	v4 =	vand.u32 $0x7F, v6  }
0x9e: {  	s12 =	sand.u32 $0x3FF0, s8;
	v3 =	vor.u32 v4, v3  }
0x9f: {  	s9 =	sadd.s32 $0x10, s9;
	[tilespmem:s12+$0x1CA80] =	vst v3  }
0xa0: {  	s11 =	sadd.s32 $0x1, s11;
	v3 =	vld [tilespmem:s9+$0x0]  }
0xa1: {  	_ = 	snop  }
0xa2: {  	s8 =	sadd.s32 $0x10, s8  }
0xa3: {  	s9 =	sshrl.u32 s10, $0x6;
	s13 =	sand.u32 $0x3F0, s8  }
0xa4: {  	s9 =	sadd.s32 s5, s9;
	s10 =	sor.u32 s4, s13  }
0xa5: {  	s9 =	smul.u32 $0xFA0000, s9;
	v4 =	vmov s10;
	v5 =	vshll.u32 v3, $0xE  }
0xa6: {  	v4 =	vshll.u32 v4, $0x3;
	v5 =	vand.u32 $0xFFFE0000, v5  }
0xa7: {  	v3 =	vshll.u32 v3, $0x7;
	v4 =	vand.u32 $0x1FC00, v4;
	v5 =	vadd.s32 s9, v5  }
0xa8: {  	v6 =	vor.u32 s10, v2;
	v3 =	vand.u32 $0x380, v3;
	v4 =	vor.u32 v4, v5  }
0xa9: {  	v63 =	vand.u32 $0x7F, v6;
	v3 =	vor.u32 v3, v4  }
0xaa: {  	s8 =	sand.u32 $0x3FF0, s8;
	v3 =	vor.u32 v63, v3  }
0xab: {  	[tilespmem:s8+$0x1CA80] =	vst v3  }
0xac: {  	_ =	swait.ge [sflag:s31], $0x19640  }
0xad: {  	[sflag:s31] =	ssyncset.done $0x0  }
0xae: {  	[sflag:s31] =	ssyncadd.s32 $0xFFFE69C0  }
0xaf: {  	_ =	swait.ge [sflag:s31], $0x19640  }
0xb0: {  	[sflag:s31] =	ssyncset.done $0x0  }
0xb1: {  	[sflag:s31] =	ssyncadd.s32 $0xFFFE69C0  }
0xb2: {  	_ =	swait.ge [sflag:s31], $0x19640  }
0xb3: {  	[sflag:s31] =	ssyncset.done $0x0  }
0xb4: {  	[sflag:s31] =	ssyncadd.s32 $0xFFFE69C0  }
0xb5: {  	_ =	swait.ge [sflag:s31], $0x19640  }
0xb6: {  	[sflag:s31] =	ssyncset.done $0x0  }
0xb7: {  	[sflag:s31] =	ssyncadd.s32 $0xFFFE69C0  }
0xb8: {  	_ =	swait.ge [sflag:s31], $0x19640  }
0xb9: {  	[sflag:s31] =	ssyncset.done $0x0  }
0xba: {  	[sflag:s31] =	ssyncadd.s32 $0xFFFE69C0  }
0xbb: {  	_ =	swait.ge [sflag:s31], $0x19640  }
0xbc: {  	[sflag:s31] =	ssyncset.done $0x0  }
0xbd: {  	[sflag:s31] =	ssyncadd.s32 $0xFFFE69C0  }
0xbe: {  	_ =	swait.ge [sflag:s31], $0x19640  }
0xbf: {  	[sflag:s31] =	ssyncset.done $0x0  }
0xc0: {  	[sflag:s31] =	ssyncadd.s32 $0xFFFE69C0  }
0xc1: {  	_ =	swait.ge [sflag:s31], $0x19640  }
0xc2: {  	[sflag:s31] =	ssyncset.done $0x0  }
0xc3: {  	[sflag:s31] =	ssyncadd.s32 $0xFFFE69C0  }
0xc4: {  	s11 =	simm.s32 $0x1CA80;
	[bflag:$0x0] =	sbarrier.arrive $0xFFFF  }
0xc5: {  	[hbm4b:s1+s3] =	stream.indirect.scatter [tilespmem:s30], [sflag:$0x3], $0x1, s11, s3, $0xb8;
	[tilespmem:$0x1FF00] =	vst v63  }
0xc6: {  	s12 =	simm.s32 $0x1CB00  }
0xc7: {  	[hbm4b:s1+s3] =	stream.indirect.scatter [tilespmem:s30], [sflag:$0x3], $0x1, s12, s3, $0xb8;
	[tilespmem:$0x1FF00] =	vst v63  }
0xc8: {  	s13 =	simm.s32 $0x1CB80  }
0xc9: {  	[hbm4b:s1+s3] =	stream.indirect.scatter [tilespmem:s30], [sflag:$0x3], $0x1, s13, s3, $0xb8;
	[tilespmem:$0x1FF00] =	vst v63  }
0xca: {  	s9 =	simm.s32 $0x1CC00  }
0xcb: {  	[hbm4b:s1+s3] =	stream.indirect.scatter [tilespmem:s30], [sflag:$0x3], $0x1, s9, s3, $0xb8;
	[tilespmem:$0x1FF00] =	vst v63  }
0xcc: {  	s10 =	simm.s32 $0x1CC80  }
0xcd: {  	[hbm4b:s1+s3] =	stream.indirect.scatter [tilespmem:s30], [sflag:$0x3], $0x1, s10, s3, $0xb8;
	[tilespmem:$0x1FF00] =	vst v63  }
0xce: {  	s11 =	simm.s32 $0x1CD00  }
0xcf: {  	[hbm4b:s1+s3] =	stream.indirect.scatter [tilespmem:s30], [sflag:$0x3], $0x1, s11, s3, $0xb8;
	[tilespmem:$0x1FF00] =	vst v63  }
0xd0: {  	s12 =	simm.s32 $0x1CD80  }
0xd1: {  	[hbm4b:s1+s3] =	stream.indirect.scatter [tilespmem:s30], [sflag:$0x3], $0x1, s12, s3, $0xb8;
	[tilespmem:$0x1FF00] =	vst v63  }
0xd2: {  	p0 =	por $0x0, $0x0;
	s13 =	simm.s32 $0x1CE00  }
0xd3: {  	[hbm4b:s1+s3] =	stream.indirect.scatter [tilespmem:s30], [sflag:$0x3], $0x1, s13, s3, $0xb8;
	[tilespmem:$0x1FF00] =	vst v63  }
0xd4: {  	s8 =	simm.s32 $0x1CE80;
	s9 =	simm.s32 @!p0 $0x80;
	s10 =	simm.s32 @!p0 $0x1FE80  }
0xd5: {  	[hbm4b:s1+s9] =	stream.indirect.scatter @!p0 [tilespmem:s10], [sflag:$0x3], $0x1, s8, s9, $0xb8;
	[tilespmem:$0x1FF00] =	vst v63  }
0xd6: {  	_ =	swait.ge [sflag:s6], $0x80  }
0xd7: {  	s9 =	simm.s32 $0x1;
	[sflag:s6] =	ssyncset.done $0x0  }
.LBB2_8:
0xd8: {  	s10 =	smov.u32 s9;
	s9 =	sadd.s32 $0x1, s9  }
0xd9: {  	[sflag:s6] =	ssyncadd.s32 $0xFFFFFF80;
	s8 =	sadd.s32 $0x80, s8;
	p1 =	sne.s32 s9, $0x68  }
.Ltmp3:
0xda: {  	p0 =	sgt.u32 s10, $0x5F;
	(pc) =	sbr.rel @p1 .LBB2_8-.Ltmp3, $4  }
0xdb: {  	s10 =	simm.s32 @!p0 $0x80;
	s11 =	simm.s32 @!p0 $0x1FE80  }
0xdc: {  	[hbm4b:s1+s10] =	stream.indirect.scatter @!p0 [tilespmem:s11], [sflag:$0x3], $0x1, s8, s10, $0xb8;
	[tilespmem:$0x1FF00] =	vst v63  }
0xdd: {  	_ =	swait.ge [sflag:s6], $0x80  }
0xde: {  	[sflag:s6] =	ssyncset.done $0x0  }
0xdf: {  	s7 =	sadd.s32 $0x1, s7  }
0xe0: {  	p0 =	sne.s32 s7, s24  }
.Ltmp4:
0xe1: {  	_ = 	snop;
	(pc) =	sbr.rel @p0 .LBB2_1-.Ltmp4, $2  }
0xe2: {  	_ =	sdelay $0x2  }
0xe3: {  	[sflag:s6] =	ssyncadd.s32 $0xFFFFFF80  }
0xe4: {  	_ =	sfence.sel $0x180000  }
0xe5: {  	[bflag:$0x0] =	sbarrier.arrive $0xFFFF  }
0xe6: {  	_ =	strace $0x90000047  }
0xe7: {  	s0 =	stileid.u32;
	[bflag:$0x2] =	sbarrier.arrive $0xFFFF  }
0xe8: {  	p0 =	sne.s32 s0, $0x0;
	s0 =	rddreg [dreg:$0x2]  }
0xe9: {  	s0 =	sadd.s32 @!p0 $0x100000, s0  }
0xea: {  	[sflag:s0] =	ssyncadd.tile.s32 @!p0 $0x1;
	_ =	shalt  }
.Lfunc_end2:
_tile_overlayer_lowered:
.L_overlay_start_2:
0xeb: {  	(tag) =	ssettag $0x2  }
0xec: {  	s0 =	rddreg [dreg:$0x0];
	s2 =	stileid.u32  }
0xed: {  	s1 =	rddreg [dreg:$0x1];
	p0 =	sne.s32 s2, $0x0  }
0xee: {  	s3 =	rddreg [dreg:$0x2];
	[bflag:$0x3] =	sbarrier.arrive $0xFFFF;
	s2 =	simm.s32 @!p0 $0x1C04  }
0xef: {  	[timem:s3], [sflag:s2] =	dma.local @!p0 [hbm:s0], s1  }
0xf0: {  	s0 =	simm.s32 @!p0 $0x4  }
0xf1: {  	_ =	swait.ge @!p0 [sflag:s0], s1  }
0xf2: {  	s1 =	ssub.s32 @!p0 $0x0, s1;
	[sflag:s0] =	ssyncset.done @!p0 $0x0  }
0xf3: {  	[sflag:s0] =	ssyncadd.s32 @!p0 s1  }
0xf4: {  	[bflag:$0x3] =	sbarrier.arrive $0xFFFF  }
0xf5: {  	_ =	shalt  }

</sc_bundles>
